<compile_context>
chip_gen: v7x
topology: tpu7x:2x2x1
jax: 0.10.2.dev20260603
libtpu: 0.0.44.dev20260713+nightly
codegen_flags: <defaults>
</compile_context>

<pallas_src>
import functools

import jax
import jax.numpy as jnp
from jax.experimental import pallas as pl
from jax.experimental.pallas import tpu as pltpu
from jax.experimental.pallas import tpu_sc as plsc

_HEADS = 8
_L = 2048
_D = 384
_VIS = 204
_VIS_PAD = 256


def _ln(x, w, b, eps=1e-5):
    mu = jnp.mean(x, axis=-1, keepdims=True)
    var = jnp.var(x, axis=-1, keepdims=True)
    return (x - mu) / jnp.sqrt(var + eps) * w + b


def _block(x, p):
    h = _ln(x, p['norm1_w'], p['norm1_b'])
    Bq, L, Dm = h.shape
    dh = Dm // _HEADS
    qkv = h @ p['qkv_w'].T
    qkv = qkv.reshape(Bq, L, 3, _HEADS, dh).transpose(2, 0, 3, 1, 4)
    q, k, v = qkv[0], qkv[1], qkv[2]
    attn = jax.nn.softmax((q @ jnp.swapaxes(k, -2, -1)) * (dh ** -0.5), axis=-1)
    o = (attn @ v).transpose(0, 2, 1, 3).reshape(Bq, L, Dm)
    x = x + (o @ p['proj_w'].T + p['proj_b'])
    h2 = _ln(x, p['norm2_w'], p['norm2_b'])
    h2 = jax.nn.gelu(h2 @ p['fc1_w'].T + p['fc1_b'], approximate=False)
    x = x + (h2 @ p['fc2_w'].T + p['fc2_b'])
    return x


def _cumsum_lanes(x):
    n = x.shape[1]
    sh = 1
    while sh < n:
        x = x + jnp.concatenate(
            [jnp.zeros((1, sh), x.dtype), x[:, :n - sh]], axis=1)
        sh *= 2
    return x


def _tail_kernel(prob_ref, gum_ref, idx_ref, mask_ref):
    prob = prob_ref[0]
    scores = jnp.log(prob + 1e-20) + gum_ref[0]

    bits = jax.lax.bitcast_convert_type(scores, jnp.int32)
    keys = jnp.where(bits >= 0, bits, bits ^ jnp.int32(0x7FFFFFFF))

    def bs_body(_, carry):
        lo, hi = carry
        mid = (lo >> 1) + (hi >> 1) + (lo & hi & 1)
        cnt = jnp.sum(jnp.where(keys > mid, 1.0, 0.0))
        big = cnt >= float(_VIS)
        lo = jnp.where(big, mid + 1, lo)
        hi = jnp.where(big, hi, mid)
        return lo, hi

    lo0 = jnp.full((1, 1), -2147483648, jnp.int32)
    hi0 = jnp.full((1, 1), 2147483647, jnp.int32)
    lo, hi = jax.lax.fori_loop(0, 32, bs_body, (lo0, hi0))
    tstar = lo

    strict = keys > tstar
    eq = keys == tstar
    n_strict = jnp.sum(jnp.where(strict, 1.0, 0.0))
    tie_rank = _cumsum_lanes(jnp.where(eq, 1.0, 0.0))
    sel = strict | (eq & (tie_rank <= (float(_VIS) - n_strict)))
    sel_f = jnp.where(sel, 1.0, 0.0)
    mask_ref[0] = 1.0 - sel_f

    rank = (_cumsum_lanes(sel_f) - 1.0).astype(jnp.int32)
    row_iota = jax.lax.broadcasted_iota(jnp.int32, (_VIS_PAD, _L), 0)
    onehot = jnp.where((row_iota == rank) & sel, 1.0, 0.0)
    col_iota = jax.lax.broadcasted_iota(jnp.int32, (_L, 1), 0)
    hi = (col_iota >> 8).astype(jnp.float32)
    lo = (col_iota & 255).astype(jnp.float32)
    pick = lambda v: jax.lax.dot_general(
        onehot, v, (((1,), (0,)), ((), ())),
        precision=jax.lax.Precision.DEFAULT,
        preferred_element_type=jnp.float32)
    idx_ref[0] = 256.0 * pick(hi) + pick(lo)


@jax.jit
def kernel(image_feat, pos_embed, params, gumbel):
    B = image_feat.shape[0]
    p = params
    x = image_feat.reshape(B, _L, _D)

    h = _block(x + p['pos_embed_probs'], p)
    logits = (h @ p['head_w'].T + p['head_b'])[..., 0]
    logits = jnp.nan_to_num(logits)
    prob_patch = jax.nn.softmax(logits, axis=-1)

    operands = (
        prob_patch.reshape(B, 1, _L), gumbel.reshape(B, 1, _L),
    )
    in_specs = [
        pl.BlockSpec((1, 1, _L), lambda b: (b, 0, 0)),
        pl.BlockSpec((1, 1, _L), lambda b: (b, 0, 0)),
    ]
    out_shape = (
        jax.ShapeDtypeStruct((B, _VIS_PAD, 1), jnp.float32),
        jax.ShapeDtypeStruct((B, 1, _L), jnp.float32),
    )
    out_specs = (
        pl.BlockSpec((1, _VIS_PAD, 1), lambda b: (b, 0, 0)),
        pl.BlockSpec((1, 1, _L), lambda b: (b, 0, 0)),
    )

    idx_f, mask_f = pl.pallas_call(
        _tail_kernel,
        grid=(B,),
        in_specs=in_specs,
        out_specs=out_specs,
        out_shape=out_shape,
    )(*operands)

    idx_global = (idx_f.reshape(B, _VIS_PAD)
                  + jnp.arange(B, dtype=jnp.float32)[:, None] * float(_L))
    idx_flat = idx_global.astype(jnp.int32).reshape(1, B * _VIS_PAD)

    xfln = _ln(x + jax.lax.stop_gradient(pos_embed),
               p['norm_w'], p['norm_b']).reshape(B * _L, _D)

    vis_flat = _sc_gather(xfln, idx_flat)
    vis_pad = vis_flat.reshape(B, _VIS_PAD, _D)

    return (prob_patch, vis_pad[:, :_VIS, :],
            mask_f.reshape(B, _L).astype(bool))


_GATHER_WIN = 128


def _sc_gather(table, idx):
    n_idx = idx.shape[1]

    @functools.partial(
        pl.kernel,
        out_type=jax.ShapeDtypeStruct((n_idx, table.shape[1]), table.dtype),
        mesh=plsc.VectorSubcoreMesh(core_axis_name="core",
                                    subcore_axis_name="subcore"),
    )
    def gather_kernel(x_hbm, i_hbm, o_hbm):
        def body(i_vmem, o_vmem):
            pltpu.sync_copy(x_hbm.at[i_vmem.at[0]], o_vmem)

        pltpu.emit_pipeline(
            body,
            grid=(n_idx // _GATHER_WIN,),
            in_specs=[pl.BlockSpec((1, _GATHER_WIN), index_map=lambda i: (0, i))],
            out_specs=[pl.BlockSpec((_GATHER_WIN, table.shape[1]),
                                    index_map=lambda i: (i, 0))],
            core_axis_name='subcore',
            dimension_semantics=(pltpu.PARALLEL,),
        )(i_hbm, o_hbm)

    return gather_kernel(table, idx)

# --- scband reference (transcript-rebuilt; emitter-appended) ---
"""Pipeline reference for scband-ada-maemasking-59957743452940 (READ-ONLY COPY).

The authoritative reference and input builder live on the scoring server;
editing this copy changes nothing except your own understanding.
"""

import jax, jax.numpy as jnp
import numpy as np

B, T, N, D = 16, 8, 256, 384
NT = T * N
HEADS = 8
VIS = int(NT * (1.0 - 0.9))  # 204 visible patches


def get_sinusoid_encoding_table(n_position, d_hid):
    pos = np.arange(n_position)[:, None].astype(np.float64)
    hid = np.arange(d_hid)[None, :]
    angle = pos / np.power(10000.0, 2.0 * (hid // 2) / d_hid)
    table = np.zeros((n_position, d_hid), dtype=np.float64)
    table[:, 0::2] = np.sin(angle[:, 0::2])
    table[:, 1::2] = np.cos(angle[:, 1::2])
    return jnp.asarray(table[None], dtype=jnp.float32)


def setup_inputs(seed: int = 0):
    key = jax.random.key(seed)
    ks = jax.random.split(key, 16)
    image_feat = jax.random.normal(ks[0], (B, T, N, D), dtype=jnp.float32)
    pos_embed = get_sinusoid_encoding_table(NT, D)
    params = {
        'pos_embed_probs': 0.02 * jax.random.normal(ks[1], (1, NT, D), dtype=jnp.float32),
        'norm1_w': jnp.ones((D,), jnp.float32), 'norm1_b': jnp.zeros((D,), jnp.float32),
        'qkv_w': 0.02 * jax.random.normal(ks[2], (3 * D, D), dtype=jnp.float32),
        'proj_w': 0.02 * jax.random.normal(ks[3], (D, D), dtype=jnp.float32),
        'proj_b': jnp.zeros((D,), jnp.float32),
        'norm2_w': jnp.ones((D,), jnp.float32), 'norm2_b': jnp.zeros((D,), jnp.float32),
        'fc1_w': 0.02 * jax.random.normal(ks[4], (4 * D, D), dtype=jnp.float32),
        'fc1_b': jnp.zeros((4 * D,), jnp.float32),
        'fc2_w': 0.02 * jax.random.normal(ks[5], (D, 4 * D), dtype=jnp.float32),
        'fc2_b': jnp.zeros((D,), jnp.float32),
        'head_w': 0.02 * jax.random.normal(ks[6], (1, D), dtype=jnp.float32),
        'head_b': jnp.zeros((1,), jnp.float32),
        'norm_w': jnp.ones((D,), jnp.float32), 'norm_b': jnp.zeros((D,), jnp.float32),
    }
    gumbel = jax.random.gumbel(ks[7], (B, NT), dtype=jnp.float32)
    return {'image_feat': image_feat, 'pos_embed': pos_embed, 'params': params, 'gumbel': gumbel}


def _ln(x, w, b, eps=1e-5):
    mu = jnp.mean(x, axis=-1, keepdims=True)
    var = jnp.var(x, axis=-1, keepdims=True)
    return (x - mu) / jnp.sqrt(var + eps) * w + b


def _block(x, p):
    h = _ln(x, p['norm1_w'], p['norm1_b'])
    Bq, L, Dm = h.shape
    dh = Dm // HEADS
    qkv = h @ p['qkv_w'].T
    qkv = qkv.reshape(Bq, L, 3, HEADS, dh).transpose(2, 0, 3, 1, 4)
    q, k, v = qkv[0], qkv[1], qkv[2]
    attn = jax.nn.softmax((q @ jnp.swapaxes(k, -2, -1)) * (dh ** -0.5), axis=-1)
    o = (attn @ v).transpose(0, 2, 1, 3).reshape(Bq, L, Dm)
    x = x + (o @ p['proj_w'].T + p['proj_b'])
    h2 = _ln(x, p['norm2_w'], p['norm2_b'])
    h2 = jax.nn.gelu(h2 @ p['fc1_w'].T + p['fc1_b'], approximate=False)
    x = x + (h2 @ p['fc2_w'].T + p['fc2_b'])
    return x


def reference(image_feat, pos_embed, params, gumbel):
    Bi, Ti, Ni, Di = image_feat.shape
    x = image_feat.reshape(Bi, Ti * Ni, Di)
    # get_mask
    h = x + params['pos_embed_probs']
    h = _block(h, params)
    logits = (h @ params['head_w'].T + params['head_b'])[..., 0]
    logits = jnp.nan_to_num(logits)
    prob_patch = jax.nn.softmax(logits, axis=-1)
    # multinomial without replacement == Gumbel-top-k on log probs
    scores = jnp.log(prob_patch + 1e-20) + gumbel
    _, vis_idx = jax.lax.top_k(scores, VIS)
    mask = jnp.ones((Bi, Ti * Ni), jnp.float32)
    mask = mask.at[jnp.arange(Bi)[:, None], vis_idx].set(0.0)
    mask_b = mask.astype(bool)
    # add (detached) sinusoid pos embed and gather visible tokens (flat order == sorted idx)
    xf = x + jax.lax.stop_gradient(pos_embed)
    vis_sorted = jnp.sort(vis_idx, axis=-1)
    vis = jnp.take_along_axis(xf, vis_sorted[:, :, None], axis=1)
    vis = _ln(vis, params['norm_w'], params['norm_b'])
    return (prob_patch, vis, mask_b)

if __name__ == "__main__":
    import jax
    _d = setup_inputs()
    print(jax.jit(kernel)(*tuple(_d.values())))

</pallas_src>

<mosaic_0001>
#map = affine_map<(d0, d1) -> (0, 0)>
module attributes {stable_mosaic.version = 14 : i64} {
  func.func @gather_kernel(%arg0: i32, %arg1: i32, %arg2: memref<32768x384xf32, #tpu.memory_space<hbm>>, %arg3: memref<1x4096xi32, #tpu.memory_space<hbm>>, %arg4: memref<4096x384xf32, #tpu.memory_space<hbm>>) attributes {dimension_semantics = [#tpu.dimension_semantics<core_parallel>, #tpu.dimension_semantics<subcore_parallel>], iteration_bounds = array<i64: 2, 16>, scalar_prefetch = 0 : i64, scratch_operands = 0 : i64, tpu.core_type = #tpu.core_type<sc_vector_subcore>, window_params = [{transform_indices = #map}, {transform_indices = #map}, {transform_indices = #map}]} {
    %mul3A = arith.constant 2 : i32
    %mul3A_0 = arith.muli %arg1, %mul3A : i32
    "tpu.region"() ({
      %run_scoped3A = memref.alloca() : memref<2x1x128xi32, #tpu.memory_space<vmem>>
      %run_scoped3A_1 = tpu.sem_alloc : memref<2x!tpu.dma_semaphore, #tpu.memory_space<semaphore_mem>>
      %run_scoped3A_2 = memref.alloca() : memref<2x128x384xf32, #tpu.memory_space<vmem>>
      %run_scoped3A_3 = tpu.sem_alloc : memref<2x!tpu.dma_semaphore, #tpu.memory_space<semaphore_mem>>
      %add3A = arith.constant 0 : i32
      %add3A_4 = arith.addi %add3A, %mul3A_0 : i32
      %select_n3A = arith.constant true
      %select_n3A_5 = arith.constant 0 : i32
      %select_n3A_6 = arith.constant -1 : i32
      %select_n3A_7 = arith.select %select_n3A, %select_n3A_6, %select_n3A_5 : i32
      %eq3A = arith.constant -1 : i32
      %eq3A_8 = arith.cmpi eq, %select_n3A_7, %eq3A : i32
      %select_n3A_9 = arith.constant 1 : i32
      %select_n3A_10 = arith.select %eq3A_8, %select_n3A_9, %select_n3A_7 : i32
      %add3A_11 = arith.addi %select_n3A_10, %mul3A_0 : i32
      %select_n3A_12 = arith.constant true
      %select_n3A_13 = arith.constant 0 : i32
      %select_n3A_14 = arith.constant 1 : i32
      %select_n3A_15 = arith.select %select_n3A_12, %select_n3A_14, %select_n3A_13 : i32
      %eq3A_16 = arith.constant 2 : i32
      %eq3A_17 = arith.cmpi eq, %select_n3A_15, %eq3A_16 : i32
      %select_n3A_18 = arith.constant 0 : i32
      %select_n3A_19 = arith.select %eq3A_17, %select_n3A_18, %select_n3A_15 : i32
      %add3A_20 = arith.addi %select_n3A_19, %mul3A_0 : i32
      %add3A_21 = arith.constant 1 : i32
      %add3A_22 = arith.addi %select_n3A_19, %add3A_21 : i32
      %select_n3A_23 = arith.constant true
      %select_n3A_24 = arith.select %select_n3A_23, %add3A_22, %select_n3A_19 : i32
      %eq3A_25 = arith.constant 2 : i32
      %eq3A_26 = arith.cmpi eq, %select_n3A_24, %eq3A_25 : i32
      %select_n3A_27 = arith.constant 0 : i32
      %select_n3A_28 = arith.select %eq3A_26, %select_n3A_27, %select_n3A_24 : i32
      %add3A_29 = arith.addi %select_n3A_28, %mul3A_0 : i32
      "tpu.trace_start"() <{level = 10 : i32, message = "ep_initialize_0"}> : () -> ()
      %rem3A = arith.constant 0 : i32
      %rem3A_30 = arith.constant 2 : i32
      %rem3A_31 = arith.remui %rem3A, %rem3A_30 : i32
      %mul3A_32 = arith.constant 128 : i32
      %mul3A_33 = arith.muli %mul3A_32, %add3A_4 : i32
      %dma_start3A = arith.constant 0 : i32
      %dma_start3A_34 = arith.constant 0 : i32
      %dma_start3A_35 = tpu.memref_slice %run_scoped3A[%rem3A_31, %dma_start3A, %dma_start3A_34] : memref<2x1x128xi32, #tpu.memory_space<vmem>> -> memref<1x1x128xi32, #tpu.memory_space<vmem>>
      %dma_start3A_36 = tpu.memref_squeeze %dma_start3A_35 : memref<1x1x128xi32, #tpu.memory_space<vmem>> -> memref<1x128xi32, #tpu.memory_space<vmem>>
      %dma_start3A_37 = arith.constant 0 : i32
      %dma_start3A_38 = tpu.memref_slice %arg3[%dma_start3A_37, %mul3A_33] : memref<1x4096xi32, #tpu.memory_space<hbm>> -> memref<1x128xi32, #tpu.memory_space<hbm>>
      %dma_start3A_39 = tpu.memref_slice %run_scoped3A_1[%rem3A_31] : memref<2x!tpu.dma_semaphore, #tpu.memory_space<semaphore_mem>> -> memref<1x!tpu.dma_semaphore, #tpu.memory_space<semaphore_mem>>
      %dma_start3A_40 = tpu.memref_squeeze %dma_start3A_39 : memref<1x!tpu.dma_semaphore, #tpu.memory_space<semaphore_mem>> -> memref<!tpu.dma_semaphore, #tpu.memory_space<semaphore_mem>>
      %dma_start3A_41 = arith.constant 0 : i32
      %dma_start3A_42 = arith.constant 0 : i32
      %dma_start3A_43 = tpu.memref_slice %run_scoped3A[%rem3A_31, %dma_start3A_41, %dma_start3A_42] : memref<2x1x128xi32, #tpu.memory_space<vmem>> -> memref<1x1x128xi32, #tpu.memory_space<vmem>>
      %dma_start3A_44 = tpu.memref_squeeze %dma_start3A_43 : memref<1x1x128xi32, #tpu.memory_space<vmem>> -> memref<1x128xi32, #tpu.memory_space<vmem>>
      %dma_start3A_45 = arith.constant 0 : i32
      %dma_start3A_46 = tpu.memref_slice %arg3[%dma_start3A_45, %mul3A_33] : memref<1x4096xi32, #tpu.memory_space<hbm>> -> memref<1x128xi32, #tpu.memory_space<hbm>>
      tpu.enqueue_dma source(%dma_start3A_46 : memref<1x128xi32, #tpu.memory_space<hbm>>) target(%dma_start3A_44 : memref<1x128xi32, #tpu.memory_space<vmem>>) target_semaphore(%dma_start3A_40 : memref<!tpu.dma_semaphore, #tpu.memory_space<semaphore_mem>>)
      %add3A_47 = arith.constant 0 : i32
      %add3A_48 = arith.constant 1 : i32
      %add3A_49 = arith.addi %add3A_47, %add3A_48 : i32
      %select_n3A_50 = arith.constant true
      %select_n3A_51 = arith.constant 0 : i32
      %select_n3A_52 = arith.select %select_n3A_50, %add3A_49, %select_n3A_51 : i32
      "tpu.trace_stop"() : () -> ()
      %scan3A = arith.constant 0 : i32
      %scan3A_53 = arith.constant 0 : i32
      %scan3A_54 = arith.constant 0 : i32
      %scan3A_55 = arith.constant 0 : i32
      %scan3A_56 = arith.constant 0 : i32
      %scan3A_57 = arith.constant 2 : i32
      %scan3A_58 = arith.addi %scan3A_56, %scan3A_57 : i32
      %scan3A_59 = arith.constant 1 : i32
      %scan3A_60:5 = scf.for %scan3A_114 = %scan3A_56 to %scan3A_58 step %scan3A_59 iter_args(%scan3A_115 = %select_n3A_52, %scan3A_116 = %scan3A, %scan3A_117 = %scan3A_53, %scan3A_118 = %scan3A_54, %scan3A_119 = %scan3A_55) -> (i32, i32, i32, i32, i32)  : i32 {
        %eq3A_120 = arith.constant 0 : i32
        %eq3A_121 = arith.cmpi eq, %scan3A_114, %eq3A_120 : i32
        %eq3A_122 = arith.constant 1 : i32
        %eq3A_123 = arith.cmpi eq, %scan3A_114, %eq3A_122 : i32
        %add3A_124 = arith.addi %scan3A_119, %mul3A_0 : i32
        %sub3A_125 = arith.constant 1 : i32
        %sub3A_126 = arith.subi %scan3A_119, %sub3A_125 : i32
        %select_n3A_127 = arith.constant true
        %select_n3A_128 = arith.select %select_n3A_127, %sub3A_126, %scan3A_119 : i32
        %eq3A_129 = arith.constant -1 : i32
        %eq3A_130 = arith.cmpi eq, %select_n3A_128, %eq3A_129 : i32
        %select_n3A_131 = arith.constant 1 : i32
        %select_n3A_132 = arith.select %eq3A_130, %select_n3A_131, %select_n3A_128 : i32
        %add3A_133 = arith.addi %select_n3A_132, %mul3A_0 : i32
        %add3A_134 = arith.constant 1 : i32
        %add3A_135 = arith.addi %scan3A_119, %add3A_134 : i32
        %select_n3A_136 = arith.constant true
        %select_n3A_137 = arith.select %select_n3A_136, %add3A_135, %scan3A_119 : i32
        %eq3A_138 = arith.constant 2 : i32
        %eq3A_139 = arith.cmpi eq, %select_n3A_137, %eq3A_138 : i32
        %select_n3A_140 = arith.constant 0 : i32
        %select_n3A_141 = arith.select %eq3A_139, %select_n3A_140, %select_n3A_137 : i32
        %add3A_142 = arith.addi %select_n3A_141, %mul3A_0 : i32
        %add3A_143 = arith.constant 1 : i32
        %add3A_144 = arith.addi %select_n3A_141, %add3A_143 : i32
        %select_n3A_145 = arith.constant true
        %select_n3A_146 = arith.select %select_n3A_145, %add3A_144, %select_n3A_141 : i32
        %eq3A_147 = arith.constant 2 : i32
        %eq3A_148 = arith.cmpi eq, %select_n3A_146, %eq3A_147 : i32
        %select_n3A_149 = arith.constant 0 : i32
        %select_n3A_150 = arith.select %eq3A_148, %select_n3A_149, %select_n3A_146 : i32
        %add3A_151 = arith.addi %select_n3A_150, %mul3A_0 : i32
        %ne3A = arith.cmpi ne, %add3A_124, %add3A_142 : i32
        %or3A = arith.constant false
        %or3A_152 = arith.ori %or3A, %ne3A : i1
        %ge3A = arith.constant 1 : i32
        %ge3A_153 = arith.cmpi sge, %scan3A_114, %ge3A : i32
        %not3A = arith.constant true
        %not3A_154 = arith.xori %ge3A_153, %not3A : i1
        %and3A = arith.andi %or3A_152, %not3A_154 : i1
        %convert_element_type3A = arith.extui %and3A : i1 to i32
        %cond3A = arith.constant 0 : i32
        %cond3A_155 = arith.cmpi ne, %convert_element_type3A, %cond3A : i32
        scf.if %cond3A_155 {
          "tpu.trace_start"() <{level = 10 : i32, message = "ep_copy_in"}> : () -> ()
          %rem3A_257 = arith.constant 2 : i32
          %rem3A_258 = arith.remui %scan3A_115, %rem3A_257 : i32
          %mul3A_259 = arith.constant 128 : i32
          %mul3A_260 = arith.muli %mul3A_259, %add3A_142 : i32
          %dma_start3A_261 = arith.constant 0 : i32
          %dma_start3A_262 = arith.constant 0 : i32
          %dma_start3A_263 = tpu.memref_slice %run_scoped3A[%rem3A_258, %dma_start3A_261, %dma_start3A_262] : memref<2x1x128xi32, #tpu.memory_space<vmem>> -> memref<1x1x128xi32, #tpu.memory_space<vmem>>
          %dma_start3A_264 = tpu.memref_squeeze %dma_start3A_263 : memref<1x1x128xi32, #tpu.memory_space<vmem>> -> memref<1x128xi32, #tpu.memory_space<vmem>>
          %dma_start3A_265 = arith.constant 0 : i32
          %dma_start3A_266 = tpu.memref_slice %arg3[%dma_start3A_265, %mul3A_260] : memref<1x4096xi32, #tpu.memory_space<hbm>> -> memref<1x128xi32, #tpu.memory_space<hbm>>
          %dma_start3A_267 = tpu.memref_slice %run_scoped3A_1[%rem3A_258] : memref<2x!tpu.dma_semaphore, #tpu.memory_space<semaphore_mem>> -> memref<1x!tpu.dma_semaphore, #tpu.memory_space<semaphore_mem>>
          %dma_start3A_268 = tpu.memref_squeeze %dma_start3A_267 : memref<1x!tpu.dma_semaphore, #tpu.memory_space<semaphore_mem>> -> memref<!tpu.dma_semaphore, #tpu.memory_space<semaphore_mem>>
          %dma_start3A_269 = arith.constant 0 : i32
          %dma_start3A_270 = arith.constant 0 : i32
          %dma_start3A_271 = tpu.memref_slice %run_scoped3A[%rem3A_258, %dma_start3A_269, %dma_start3A_270] : memref<2x1x128xi32, #tpu.memory_space<vmem>> -> memref<1x1x128xi32, #tpu.memory_space<vmem>>
          %dma_start3A_272 = tpu.memref_squeeze %dma_start3A_271 : memref<1x1x128xi32, #tpu.memory_space<vmem>> -> memref<1x128xi32, #tpu.memory_space<vmem>>
          %dma_start3A_273 = arith.constant 0 : i32
          %dma_start3A_274 = tpu.memref_slice %arg3[%dma_start3A_273, %mul3A_260] : memref<1x4096xi32, #tpu.memory_space<hbm>> -> memref<1x128xi32, #tpu.memory_space<hbm>>
          tpu.enqueue_dma source(%dma_start3A_274 : memref<1x128xi32, #tpu.memory_space<hbm>>) target(%dma_start3A_272 : memref<1x128xi32, #tpu.memory_space<vmem>>) target_semaphore(%dma_start3A_268 : memref<!tpu.dma_semaphore, #tpu.memory_space<semaphore_mem>>)
          "tpu.trace_stop"() : () -> ()
        } else {
        }
        %and3A_156 = arith.constant true
        %and3A_157 = arith.andi %and3A, %and3A_156 : i1
        %add3A_158 = arith.constant 1 : i32
        %add3A_159 = arith.addi %scan3A_115, %add3A_158 : i32
        %select_n3A_160 = arith.select %and3A_157, %add3A_159, %scan3A_115 : i32
        %ne3A_161 = arith.cmpi ne, %add3A_124, %add3A_142 : i32
        %or3A_162 = arith.constant false
        %or3A_163 = arith.ori %or3A_162, %ne3A_161 : i1
        %or3A_164 = arith.constant false
        %or3A_165 = arith.ori %or3A_163, %or3A_164 : i1
        %ge3A_166 = arith.constant 1 : i32
        %ge3A_167 = arith.cmpi sge, %scan3A_114, %ge3A_166 : i32
        %not3A_168 = arith.constant true
        %not3A_169 = arith.xori %ge3A_167, %not3A_168 : i1
        %and3A_170 = arith.andi %or3A_165, %not3A_169 : i1
        %ne3A_171 = arith.cmpi ne, %add3A_124, %add3A_133 : i32
        %or3A_172 = arith.constant false
        %or3A_173 = arith.ori %or3A_172, %ne3A_171 : i1
        %or3A_174 = arith.ori %or3A_173, %eq3A_121 : i1
        %convert_element_type3A_175 = arith.extui %or3A_174 : i1 to i32
        %cond3A_176 = arith.constant 0 : i32
        %cond3A_177 = arith.cmpi ne, %convert_element_type3A_175, %cond3A_176 : i32
        scf.if %cond3A_177 {
          "tpu.trace_start"() <{level = 10 : i32, message = "ep_wait_in"}> : () -> ()
          %mul3A_257 = arith.constant 128 : i32
          %mul3A_258 = arith.muli %mul3A_257, %add3A_124 : i32
          %rem3A_259 = arith.constant 2 : i32
          %rem3A_260 = arith.remui %scan3A_116, %rem3A_259 : i32
          %dma_wait3A_261 = arith.constant 0 : i32
          %dma_wait3A_262 = arith.constant 0 : i32
          %dma_wait3A_263 = tpu.memref_slice %run_scoped3A[%rem3A_260, %dma_wait3A_261, %dma_wait3A_262] : memref<2x1x128xi32, #tpu.memory_space<vmem>> -> memref<1x1x128xi32, #tpu.memory_space<vmem>>
          %dma_wait3A_264 = tpu.memref_squeeze %dma_wait3A_263 : memref<1x1x128xi32, #tpu.memory_space<vmem>> -> memref<1x128xi32, #tpu.memory_space<vmem>>
          %dma_wait3A_265 = arith.constant 0 : i32
          %dma_wait3A_266 = tpu.memref_slice %arg3[%dma_wait3A_265, %mul3A_258] : memref<1x4096xi32, #tpu.memory_space<hbm>> -> memref<1x128xi32, #tpu.memory_space<hbm>>
          %dma_wait3A_267 = tpu.memref_slice %run_scoped3A_1[%rem3A_260] : memref<2x!tpu.dma_semaphore, #tpu.memory_space<semaphore_mem>> -> memref<1x!tpu.dma_semaphore, #tpu.memory_space<semaphore_mem>>
          %dma_wait3A_268 = tpu.memref_squeeze %dma_wait3A_267 : memref<1x!tpu.dma_semaphore, #tpu.memory_space<semaphore_mem>> -> memref<!tpu.dma_semaphore, #tpu.memory_space<semaphore_mem>>
          %dma_wait3A_269 = arith.constant 0 : i32
          %dma_wait3A_270 = arith.constant 0 : i32
          %dma_wait3A_271 = tpu.memref_slice %run_scoped3A[%rem3A_260, %dma_wait3A_269, %dma_wait3A_270] : memref<2x1x128xi32, #tpu.memory_space<vmem>> -> memref<1x1x128xi32, #tpu.memory_space<vmem>>
          %dma_wait3A_272 = tpu.memref_squeeze %dma_wait3A_271 : memref<1x1x128xi32, #tpu.memory_space<vmem>> -> memref<1x128xi32, #tpu.memory_space<vmem>>
          %dma_wait3A_273 = arith.constant 0 : i32
          %dma_wait3A_274 = tpu.memref_slice %arg3[%dma_wait3A_273, %mul3A_258] : memref<1x4096xi32, #tpu.memory_space<hbm>> -> memref<1x128xi32, #tpu.memory_space<hbm>>
          tpu.wait_dma2 semaphore(%dma_wait3A_268 : memref<!tpu.dma_semaphore, #tpu.memory_space<semaphore_mem>>) src(%dma_wait3A_274 : memref<1x128xi32, #tpu.memory_space<hbm>>) dst(%dma_wait3A_272 : memref<1x128xi32, #tpu.memory_space<vmem>>)
          "tpu.trace_stop"() : () -> ()
        } else {
        }
        %ne3A_178 = arith.cmpi ne, %add3A_124, %add3A_133 : i32
        %or3A_179 = arith.constant false
        %or3A_180 = arith.ori %or3A_179, %ne3A_178 : i1
        %or3A_181 = arith.constant false
        %or3A_182 = arith.ori %or3A_180, %or3A_181 : i1
        %or3A_183 = arith.ori %or3A_182, %eq3A_121 : i1
        %convert_element_type3A_184 = arith.extui %or3A_183 : i1 to i32
        %cond3A_185 = arith.constant 0 : i32
        %cond3A_186 = arith.cmpi ne, %convert_element_type3A_184, %cond3A_185 : i32
        scf.if %cond3A_186 {
        } else {
        }
        %rem3A_187 = arith.constant 2 : i32
        %rem3A_188 = arith.remui %scan3A_116, %rem3A_187 : i32
        %rem3A_189 = arith.constant 2 : i32
        %rem3A_190 = arith.remui %scan3A_117, %rem3A_189 : i32
        %run_scoped3A_191 = arith.constant 0 : i32
        "tpu.trace_start"() <{level = 10 : i32, message = "ep_run_kernel"}> : () -> ()
        "tpu.region"() ({
          %run_scoped3A_257 = tpu.sem_alloc : memref<!tpu.dma_semaphore, #tpu.memory_space<semaphore_mem>>
          %dma_start3A_258 = arith.constant 0 : i32
          %dma_start3A_259 = arith.constant 0 : i32
          %dma_start3A_260 = tpu.memref_slice %run_scoped3A_2[%rem3A_190, %dma_start3A_258, %dma_start3A_259] : memref<2x128x384xf32, #tpu.memory_space<vmem>> -> memref<1x128x384xf32, #tpu.memory_space<vmem>>
          %dma_start3A_261 = tpu.memref_squeeze %dma_start3A_260 : memref<1x128x384xf32, #tpu.memory_space<vmem>> -> memref<128x384xf32, #tpu.memory_space<vmem>>
          %dma_start3A_262 = arith.constant 0 : i32
          %dma_start3A_263 = arith.constant 0 : i32
          %dma_start3A_264 = tpu.memref_slice %run_scoped3A[%rem3A_188, %dma_start3A_262, %dma_start3A_263] : memref<2x1x128xi32, #tpu.memory_space<vmem>> -> memref<1x1x128xi32, #tpu.memory_space<vmem>>
          %dma_start3A_265 = tpu.memref_squeeze %dma_start3A_264 : memref<1x1x128xi32, #tpu.memory_space<vmem>> -> memref<1x128xi32, #tpu.memory_space<vmem>>
          %dma_start3A_266 = arith.constant 0 : i32
          %dma_start3A_267 = tpu.memref_slice %dma_start3A_265[%run_scoped3A_191, %dma_start3A_266] : memref<1x128xi32, #tpu.memory_space<vmem>> -> memref<1x128xi32, #tpu.memory_space<vmem>>
          %dma_start3A_268 = tpu.memref_squeeze %dma_start3A_267 : memref<1x128xi32, #tpu.memory_space<vmem>> -> memref<128xi32, #tpu.memory_space<vmem>>
          %dma_start3A_269 = arith.constant 0 : i32
          %dma_start3A_270 = arith.constant 0 : i32
          %dma_start3A_271 = tpu.memref_slice %arg2[%dma_start3A_269, %dma_start3A_270] : memref<32768x384xf32, #tpu.memory_space<hbm>> -> memref<32768x384xf32, #tpu.memory_space<hbm>>
          tpu.enqueue_indirect_dma source(%dma_start3A_271 : memref<32768x384xf32, #tpu.memory_space<hbm>>) target(%dma_start3A_261 : memref<128x384xf32, #tpu.memory_space<vmem>>) offsets(%dma_start3A_268 : memref<128xi32, #tpu.memory_space<vmem>>) semaphore(%run_scoped3A_257 : memref<!tpu.dma_semaphore, #tpu.memory_space<semaphore_mem>>)
          %dma_wait3A_272 = arith.constant 0 : i32
          %dma_wait3A_273 = arith.constant 0 : i32
          %dma_wait3A_274 = tpu.memref_slice %run_scoped3A_2[%rem3A_190, %dma_wait3A_272, %dma_wait3A_273] : memref<2x128x384xf32, #tpu.memory_space<vmem>> -> memref<1x128x384xf32, #tpu.memory_space<vmem>>
          %dma_wait3A_275 = tpu.memref_squeeze %dma_wait3A_274 : memref<1x128x384xf32, #tpu.memory_space<vmem>> -> memref<128x384xf32, #tpu.memory_space<vmem>>
          %dma_wait3A_276 = arith.constant 0 : i32
          %dma_wait3A_277 = arith.constant 0 : i32
          %dma_wait3A_278 = tpu.memref_slice %run_scoped3A[%rem3A_188, %dma_wait3A_276, %dma_wait3A_277] : memref<2x1x128xi32, #tpu.memory_space<vmem>> -> memref<1x1x128xi32, #tpu.memory_space<vmem>>
          %dma_wait3A_279 = tpu.memref_squeeze %dma_wait3A_278 : memref<1x1x128xi32, #tpu.memory_space<vmem>> -> memref<1x128xi32, #tpu.memory_space<vmem>>
          %dma_wait3A_280 = arith.constant 0 : i32
          %dma_wait3A_281 = tpu.memref_slice %dma_wait3A_279[%run_scoped3A_191, %dma_wait3A_280] : memref<1x128xi32, #tpu.memory_space<vmem>> -> memref<1x128xi32, #tpu.memory_space<vmem>>
          %dma_wait3A_282 = tpu.memref_squeeze %dma_wait3A_281 : memref<1x128xi32, #tpu.memory_space<vmem>> -> memref<128xi32, #tpu.memory_space<vmem>>
          %dma_wait3A_283 = arith.constant 0 : i32
          %dma_wait3A_284 = arith.constant 0 : i32
          %dma_wait3A_285 = tpu.memref_slice %arg2[%dma_wait3A_283, %dma_wait3A_284] : memref<32768x384xf32, #tpu.memory_space<hbm>> -> memref<32768x384xf32, #tpu.memory_space<hbm>>
          tpu.wait_indirect_dma semaphore(%run_scoped3A_257 : memref<!tpu.dma_semaphore, #tpu.memory_space<semaphore_mem>>) src(%dma_wait3A_285 : memref<32768x384xf32, #tpu.memory_space<hbm>>) dst(%dma_wait3A_275 : memref<128x384xf32, #tpu.memory_space<vmem>>)
          tpu.yield
        }) : () -> ()
        "tpu.trace_stop"() : () -> ()
        %ne3A_192 = arith.cmpi ne, %add3A_124, %add3A_142 : i32
        %or3A_193 = arith.constant false
        %or3A_194 = arith.ori %or3A_193, %ne3A_192 : i1
        %or3A_195 = arith.ori %or3A_194, %eq3A_123 : i1
        %convert_element_type3A_196 = arith.extui %or3A_195 : i1 to i32
        %cond3A_197 = arith.constant 0 : i32
        %cond3A_198 = arith.cmpi ne, %convert_element_type3A_196, %cond3A_197 : i32
        scf.if %cond3A_198 {
        } else {
        }
        %and3A_199 = arith.constant false
        %and3A_200 = arith.andi %or3A_195, %and3A_199 : i1
        %ne3A_201 = arith.cmpi ne, %add3A_124, %add3A_142 : i32
        %or3A_202 = arith.constant false
        %or3A_203 = arith.ori %or3A_202, %ne3A_201 : i1
        %or3A_204 = arith.constant false
        %or3A_205 = arith.ori %or3A_203, %or3A_204 : i1
        %or3A_206 = arith.ori %or3A_205, %eq3A_123 : i1
        %convert_element_type3A_207 = arith.extui %or3A_206 : i1 to i32
        %cond3A_208 = arith.constant 0 : i32
        %cond3A_209 = arith.cmpi ne, %convert_element_type3A_207, %cond3A_208 : i32
        scf.if %cond3A_209 {
          "tpu.trace_start"() <{level = 10 : i32, message = "ep_copy_out"}> : () -> ()
          %rem3A_257 = arith.constant 2 : i32
          %rem3A_258 = arith.remui %scan3A_117, %rem3A_257 : i32
          %mul3A_259 = arith.constant 128 : i32
          %mul3A_260 = arith.muli %mul3A_259, %add3A_124 : i32
          %dma_start3A_261 = arith.constant 0 : i32
          %dma_start3A_262 = arith.constant 0 : i32
          %dma_start3A_263 = tpu.memref_slice %run_scoped3A_2[%rem3A_258, %dma_start3A_261, %dma_start3A_262] : memref<2x128x384xf32, #tpu.memory_space<vmem>> -> memref<1x128x384xf32, #tpu.memory_space<vmem>>
          %dma_start3A_264 = tpu.memref_squeeze %dma_start3A_263 : memref<1x128x384xf32, #tpu.memory_space<vmem>> -> memref<128x384xf32, #tpu.memory_space<vmem>>
          %dma_start3A_265 = arith.constant 0 : i32
          %dma_start3A_266 = tpu.memref_slice %arg4[%mul3A_260, %dma_start3A_265] : memref<4096x384xf32, #tpu.memory_space<hbm>> -> memref<128x384xf32, #tpu.memory_space<hbm>>
          %dma_start3A_267 = tpu.memref_slice %run_scoped3A_3[%rem3A_258] : memref<2x!tpu.dma_semaphore, #tpu.memory_space<semaphore_mem>> -> memref<1x!tpu.dma_semaphore, #tpu.memory_space<semaphore_mem>>
          %dma_start3A_268 = tpu.memref_squeeze %dma_start3A_267 : memref<1x!tpu.dma_semaphore, #tpu.memory_space<semaphore_mem>> -> memref<!tpu.dma_semaphore, #tpu.memory_space<semaphore_mem>>
          %dma_start3A_269 = arith.constant 0 : i32
          %dma_start3A_270 = tpu.memref_slice %arg4[%mul3A_260, %dma_start3A_269] : memref<4096x384xf32, #tpu.memory_space<hbm>> -> memref<128x384xf32, #tpu.memory_space<hbm>>
          %dma_start3A_271 = arith.constant 0 : i32
          %dma_start3A_272 = arith.constant 0 : i32
          %dma_start3A_273 = tpu.memref_slice %run_scoped3A_2[%rem3A_258, %dma_start3A_271, %dma_start3A_272] : memref<2x128x384xf32, #tpu.memory_space<vmem>> -> memref<1x128x384xf32, #tpu.memory_space<vmem>>
          %dma_start3A_274 = tpu.memref_squeeze %dma_start3A_273 : memref<1x128x384xf32, #tpu.memory_space<vmem>> -> memref<128x384xf32, #tpu.memory_space<vmem>>
          tpu.enqueue_dma source(%dma_start3A_274 : memref<128x384xf32, #tpu.memory_space<vmem>>) target(%dma_start3A_270 : memref<128x384xf32, #tpu.memory_space<hbm>>) target_semaphore(%dma_start3A_268 : memref<!tpu.dma_semaphore, #tpu.memory_space<semaphore_mem>>)
          "tpu.trace_stop"() : () -> ()
        } else {
        }
        %and3A_210 = arith.constant true
        %and3A_211 = arith.andi %or3A_206, %and3A_210 : i1
        %add3A_212 = arith.constant 1 : i32
        %add3A_213 = arith.addi %scan3A_117, %add3A_212 : i32
        %select_n3A_214 = arith.select %and3A_211, %add3A_213, %scan3A_117 : i32
        %ne3A_215 = arith.cmpi ne, %add3A_124, %add3A_133 : i32
        %or3A_216 = arith.constant false
        %or3A_217 = arith.ori %or3A_216, %ne3A_215 : i1
        %not3A_218 = arith.constant true
        %not3A_219 = arith.xori %eq3A_121, %not3A_218 : i1
        %and3A_220 = arith.andi %or3A_217, %not3A_219 : i1
        %convert_element_type3A_221 = arith.extui %and3A_220 : i1 to i32
        %cond3A_222 = arith.constant 0 : i32
        %cond3A_223 = arith.cmpi ne, %convert_element_type3A_221, %cond3A_222 : i32
        scf.if %cond3A_223 {
        } else {
        }
        %and3A_224 = arith.constant false
        %and3A_225 = arith.andi %and3A_220, %and3A_224 : i1
        %ne3A_226 = arith.cmpi ne, %add3A_124, %add3A_133 : i32
        %or3A_227 = arith.constant false
        %or3A_228 = arith.ori %or3A_227, %ne3A_226 : i1
        %or3A_229 = arith.constant false
        %or3A_230 = arith.ori %or3A_228, %or3A_229 : i1
        %not3A_231 = arith.constant true
        %not3A_232 = arith.xori %eq3A_121, %not3A_231 : i1
        %and3A_233 = arith.andi %or3A_230, %not3A_232 : i1
        %convert_element_type3A_234 = arith.extui %and3A_233 : i1 to i32
        %cond3A_235 = arith.constant 0 : i32
        %cond3A_236 = arith.cmpi ne, %convert_element_type3A_234, %cond3A_235 : i32
        scf.if %cond3A_236 {
          "tpu.trace_start"() <{level = 10 : i32, message = "ep_wait_out"}> : () -> ()
          %rem3A_257 = arith.constant 2 : i32
          %rem3A_258 = arith.remui %scan3A_118, %rem3A_257 : i32
          %mul3A_259 = arith.constant 128 : i32
          %mul3A_260 = arith.muli %mul3A_259, %add3A_133 : i32
          %dma_wait3A_261 = arith.constant 0 : i32
          %dma_wait3A_262 = arith.constant 0 : i32
          %dma_wait3A_263 = tpu.memref_slice %run_scoped3A_2[%rem3A_258, %dma_wait3A_261, %dma_wait3A_262] : memref<2x128x384xf32, #tpu.memory_space<vmem>> -> memref<1x128x384xf32, #tpu.memory_space<vmem>>
          %dma_wait3A_264 = tpu.memref_squeeze %dma_wait3A_263 : memref<1x128x384xf32, #tpu.memory_space<vmem>> -> memref<128x384xf32, #tpu.memory_space<vmem>>
          %dma_wait3A_265 = arith.constant 0 : i32
          %dma_wait3A_266 = tpu.memref_slice %arg4[%mul3A_260, %dma_wait3A_265] : memref<4096x384xf32, #tpu.memory_space<hbm>> -> memref<128x384xf32, #tpu.memory_space<hbm>>
          %dma_wait3A_267 = tpu.memref_slice %run_scoped3A_3[%rem3A_258] : memref<2x!tpu.dma_semaphore, #tpu.memory_space<semaphore_mem>> -> memref<1x!tpu.dma_semaphore, #tpu.memory_space<semaphore_mem>>
          %dma_wait3A_268 = tpu.memref_squeeze %dma_wait3A_267 : memref<1x!tpu.dma_semaphore, #tpu.memory_space<semaphore_mem>> -> memref<!tpu.dma_semaphore, #tpu.memory_space<semaphore_mem>>
          %dma_wait3A_269 = arith.constant 0 : i32
          %dma_wait3A_270 = tpu.memref_slice %arg4[%mul3A_260, %dma_wait3A_269] : memref<4096x384xf32, #tpu.memory_space<hbm>> -> memref<128x384xf32, #tpu.memory_space<hbm>>
          %dma_wait3A_271 = arith.constant 0 : i32
          %dma_wait3A_272 = arith.constant 0 : i32
          %dma_wait3A_273 = tpu.memref_slice %run_scoped3A_2[%rem3A_258, %dma_wait3A_271, %dma_wait3A_272] : memref<2x128x384xf32, #tpu.memory_space<vmem>> -> memref<1x128x384xf32, #tpu.memory_space<vmem>>
          %dma_wait3A_274 = tpu.memref_squeeze %dma_wait3A_273 : memref<1x128x384xf32, #tpu.memory_space<vmem>> -> memref<128x384xf32, #tpu.memory_space<vmem>>
          tpu.wait_dma2 semaphore(%dma_wait3A_268 : memref<!tpu.dma_semaphore, #tpu.memory_space<semaphore_mem>>) src(%dma_wait3A_274 : memref<128x384xf32, #tpu.memory_space<vmem>>) dst(%dma_wait3A_270 : memref<128x384xf32, #tpu.memory_space<hbm>>)
          "tpu.trace_stop"() : () -> ()
        } else {
        }
        %and3A_237 = arith.constant true
        %and3A_238 = arith.andi %and3A_233, %and3A_237 : i1
        %add3A_239 = arith.constant 1 : i32
        %add3A_240 = arith.addi %scan3A_118, %add3A_239 : i32
        %select_n3A_241 = arith.select %and3A_238, %add3A_240, %scan3A_118 : i32
        %ne3A_242 = arith.cmpi ne, %add3A_124, %add3A_142 : i32
        %or3A_243 = arith.constant false
        %or3A_244 = arith.ori %or3A_243, %ne3A_242 : i1
        %or3A_245 = arith.ori %or3A_244, %eq3A_123 : i1
        %add3A_246 = arith.constant 1 : i32
        %add3A_247 = arith.addi %scan3A_116, %add3A_246 : i32
        %select_n3A_248 = arith.select %or3A_245, %add3A_247, %scan3A_116 : i32
        %add3A_249 = arith.constant 1 : i32
        %add3A_250 = arith.addi %scan3A_119, %add3A_249 : i32
        %select_n3A_251 = arith.constant true
        %select_n3A_252 = arith.select %select_n3A_251, %add3A_250, %scan3A_119 : i32
        %eq3A_253 = arith.constant 2 : i32
        %eq3A_254 = arith.cmpi eq, %select_n3A_252, %eq3A_253 : i32
        %select_n3A_255 = arith.constant 0 : i32
        %select_n3A_256 = arith.select %eq3A_254, %select_n3A_255, %select_n3A_252 : i32
        scf.yield %select_n3A_160, %select_n3A_248, %select_n3A_214, %select_n3A_241, %select_n3A_256 : i32, i32, i32, i32, i32
      }
      %scan3A_61 = arith.constant 2 : i32
      %sub3A = arith.constant 1 : i32
      %sub3A_62 = arith.subi %scan3A_60#4, %sub3A : i32
      %select_n3A_63 = arith.constant true
      %select_n3A_64 = arith.select %select_n3A_63, %sub3A_62, %scan3A_60#4 : i32
      %eq3A_65 = arith.constant -1 : i32
      %eq3A_66 = arith.cmpi eq, %select_n3A_64, %eq3A_65 : i32
      %select_n3A_67 = arith.constant 1 : i32
      %select_n3A_68 = arith.select %eq3A_66, %select_n3A_67, %select_n3A_64 : i32
      %add3A_69 = arith.addi %select_n3A_68, %mul3A_0 : i32
      %sub3A_70 = arith.constant 1 : i32
      %sub3A_71 = arith.subi %select_n3A_68, %sub3A_70 : i32
      %select_n3A_72 = arith.constant true
      %select_n3A_73 = arith.select %select_n3A_72, %sub3A_71, %select_n3A_68 : i32
      %eq3A_74 = arith.constant -1 : i32
      %eq3A_75 = arith.cmpi eq, %select_n3A_73, %eq3A_74 : i32
      %select_n3A_76 = arith.constant 1 : i32
      %select_n3A_77 = arith.select %eq3A_75, %select_n3A_76, %select_n3A_73 : i32
      %add3A_78 = arith.addi %select_n3A_77, %mul3A_0 : i32
      %add3A_79 = arith.constant 1 : i32
      %add3A_80 = arith.addi %select_n3A_68, %add3A_79 : i32
      %select_n3A_81 = arith.constant true
      %select_n3A_82 = arith.select %select_n3A_81, %add3A_80, %select_n3A_68 : i32
      %eq3A_83 = arith.constant 2 : i32
      %eq3A_84 = arith.cmpi eq, %select_n3A_82, %eq3A_83 : i32
      %select_n3A_85 = arith.constant 0 : i32
      %select_n3A_86 = arith.select %eq3A_84, %select_n3A_85, %select_n3A_82 : i32
      %add3A_87 = arith.addi %select_n3A_86, %mul3A_0 : i32
      %add3A_88 = arith.constant 1 : i32
      %add3A_89 = arith.addi %select_n3A_86, %add3A_88 : i32
      %select_n3A_90 = arith.constant true
      %select_n3A_91 = arith.select %select_n3A_90, %add3A_89, %select_n3A_86 : i32
      %eq3A_92 = arith.constant 2 : i32
      %eq3A_93 = arith.cmpi eq, %select_n3A_91, %eq3A_92 : i32
      %select_n3A_94 = arith.constant 0 : i32
      %select_n3A_95 = arith.select %eq3A_93, %select_n3A_94, %select_n3A_91 : i32
      %add3A_96 = arith.addi %select_n3A_95, %mul3A_0 : i32
      "tpu.trace_start"() <{level = 10 : i32, message = "ep_finalize"}> : () -> ()
      %rem3A_97 = arith.constant 2 : i32
      %rem3A_98 = arith.remui %scan3A_60#3, %rem3A_97 : i32
      %mul3A_99 = arith.constant 128 : i32
      %mul3A_100 = arith.muli %mul3A_99, %add3A_69 : i32
      %dma_wait3A = arith.constant 0 : i32
      %dma_wait3A_101 = arith.constant 0 : i32
      %dma_wait3A_102 = tpu.memref_slice %run_scoped3A_2[%rem3A_98, %dma_wait3A, %dma_wait3A_101] : memref<2x128x384xf32, #tpu.memory_space<vmem>> -> memref<1x128x384xf32, #tpu.memory_space<vmem>>
      %dma_wait3A_103 = tpu.memref_squeeze %dma_wait3A_102 : memref<1x128x384xf32, #tpu.memory_space<vmem>> -> memref<128x384xf32, #tpu.memory_space<vmem>>
      %dma_wait3A_104 = arith.constant 0 : i32
      %dma_wait3A_105 = tpu.memref_slice %arg4[%mul3A_100, %dma_wait3A_104] : memref<4096x384xf32, #tpu.memory_space<hbm>> -> memref<128x384xf32, #tpu.memory_space<hbm>>
      %dma_wait3A_106 = tpu.memref_slice %run_scoped3A_3[%rem3A_98] : memref<2x!tpu.dma_semaphore, #tpu.memory_space<semaphore_mem>> -> memref<1x!tpu.dma_semaphore, #tpu.memory_space<semaphore_mem>>
      %dma_wait3A_107 = tpu.memref_squeeze %dma_wait3A_106 : memref<1x!tpu.dma_semaphore, #tpu.memory_space<semaphore_mem>> -> memref<!tpu.dma_semaphore, #tpu.memory_space<semaphore_mem>>
      %dma_wait3A_108 = arith.constant 0 : i32
      %dma_wait3A_109 = tpu.memref_slice %arg4[%mul3A_100, %dma_wait3A_108] : memref<4096x384xf32, #tpu.memory_space<hbm>> -> memref<128x384xf32, #tpu.memory_space<hbm>>
      %dma_wait3A_110 = arith.constant 0 : i32
      %dma_wait3A_111 = arith.constant 0 : i32
      %dma_wait3A_112 = tpu.memref_slice %run_scoped3A_2[%rem3A_98, %dma_wait3A_110, %dma_wait3A_111] : memref<2x128x384xf32, #tpu.memory_space<vmem>> -> memref<1x128x384xf32, #tpu.memory_space<vmem>>
      %dma_wait3A_113 = tpu.memref_squeeze %dma_wait3A_112 : memref<1x128x384xf32, #tpu.memory_space<vmem>> -> memref<128x384xf32, #tpu.memory_space<vmem>>
      tpu.wait_dma2 semaphore(%dma_wait3A_107 : memref<!tpu.dma_semaphore, #tpu.memory_space<semaphore_mem>>) src(%dma_wait3A_113 : memref<128x384xf32, #tpu.memory_space<vmem>>) dst(%dma_wait3A_109 : memref<128x384xf32, #tpu.memory_space<hbm>>)
      "tpu.trace_stop"() : () -> ()
      tpu.yield
    }) : () -> ()
    return
  }
}

module {
  func.func @main(%arg0: i32, %arg1: i32, %arg2: i32, %arg3: i32, %arg4: memref<1x1x1024x1024xf32, #tpu.memory_space<vmem>>, %arg5: memref<1x1x1024x48xf32, #tpu.memory_space<vmem>>, %arg6: memref<1x1x1024x48xf32, #tpu.memory_space<vmem>>, %arg7: memref<1x1x1024x1xf32, #tpu.memory_space<vmem>>, %arg8: memref<1x1x1024x1xf32, #tpu.memory_space<vmem>>) attributes {dimension_semantics = [#tpu.dimension_semantics<parallel>, #tpu.dimension_semantics<parallel>, #tpu.dimension_semantics<parallel>, #tpu.dimension_semantics<arbitrary>], iteration_bounds = array<i64: 16, 8, 2, 2>, scratch_operands = 2 : i64, window_params = [{transform_indices = @qk_fn, window_bounds = array<i64: 1, 1, 1024, 1024>}, {transform_indices = @v_fn, window_bounds = array<i64: 1, 1, 1024, 48>}, {transform_indices = @oi_fn, window_bounds = array<i64: 1, 1, 1024, 48>}]} {
    %c0 = arith.constant 0 : index
    %c0_i32 = arith.constant 0 : i32
    %0 = arith.cmpi eq, %c0_i32, %arg3 : i32
    scf.if %0 {
      %cst_3 = arith.constant dense<0.000000e+00> : vector<1x1x1024x48xf32>
      vector.store %cst_3, %arg6[%c0, %c0, %c0, %c0] : memref<1x1x1024x48xf32, #tpu.memory_space<vmem>>, vector<1x1x1024x48xf32>
      %cst_4 = arith.constant dense<0xFF800000> : vector<1x1x1024x1xf32>
      vector.store %cst_4, %arg7[%c0, %c0, %c0, %c0] : memref<1x1x1024x1xf32, #tpu.memory_space<vmem>>, vector<1x1x1024x1xf32>
      %cst_5 = arith.constant dense<0.000000e+00> : vector<1x1x1024x1xf32>
      vector.store %cst_5, %arg8[%c0, %c0, %c0, %c0] : memref<1x1x1024x1xf32, #tpu.memory_space<vmem>>, vector<1x1x1024x1xf32>
    }
    %1 = vector.load %arg4[%c0, %c0, %c0, %c0] : memref<1x1x1024x1024xf32, #tpu.memory_space<vmem>>, vector<1x1x1024x1024xf32>
    %cst = arith.constant dense<0xFF800000> : vector<1x1x1024xf32>
    %2 = vector.multi_reduction <maximumf>, %1, %cst [3] : vector<1x1x1024x1024xf32> to vector<1x1x1024xf32>
    %3 = vector.shape_cast %2 : vector<1x1x1024xf32> to vector<1x1x1024x1xf32>
    %4 = vector.load %arg7[%c0, %c0, %c0, %c0] : memref<1x1x1024x1xf32, #tpu.memory_space<vmem>>, vector<1x1x1024x1xf32>
    %5 = arith.maximumf %4, %3 : vector<1x1x1024x1xf32>
    %cst_0 = arith.constant dense<0.000000e+00> : vector<1x1x1024x1xf32>
    %6 = arith.cmpf oeq, %4, %5 : vector<1x1x1024x1xf32>
    %7 = arith.subf %4, %5 : vector<1x1x1024x1xf32>
    %8 = arith.select %6, %cst_0, %7 : vector<1x1x1024x1xi1>, vector<1x1x1024x1xf32>
    %9 = vector.broadcast %5 : vector<1x1x1024x1xf32> to vector<1x1x1024x1024xf32>
    %10 = arith.subf %1, %9 : vector<1x1x1024x1024xf32>
    %11 = math.exp %10 : vector<1x1x1024x1024xf32>
    %cst_1 = arith.constant dense<0.000000e+00> : vector<1x1x1024xf32>
    %12 = vector.multi_reduction <add>, %11, %cst_1 [3] : vector<1x1x1024x1024xf32> to vector<1x1x1024xf32>
    %13 = vector.shape_cast %12 : vector<1x1x1024xf32> to vector<1x1x1024x1xf32>
    %14 = vector.load %arg8[%c0, %c0, %c0, %c0] : memref<1x1x1024x1xf32, #tpu.memory_space<vmem>>, vector<1x1x1024x1xf32>
    %15 = math.exp %8 : vector<1x1x1024x1xf32>
    %16 = arith.mulf %15, %14 : vector<1x1x1024x1xf32>
    %17 = arith.addf %16, %13 : vector<1x1x1024x1xf32>
    %18 = vector.load %arg6[%c0, %c0, %c0, %c0] : memref<1x1x1024x48xf32, #tpu.memory_space<vmem>>, vector<1x1x1024x48xf32>
    %19 = math.exp %8 : vector<1x1x1024x1xf32>
    %20 = arith.mulf %19, %14 : vector<1x1x1024x1xf32>
    %21 = vector.broadcast %20 : vector<1x1x1024x1xf32> to vector<1x1x1024x48xf32>
    %22 = arith.mulf %21, %18 : vector<1x1x1024x48xf32>
    %23 = vector.load %arg5[%c0, %c0, %c0, %c0] : memref<1x1x1024x48xf32, #tpu.memory_space<vmem>>, vector<1x1x1024x48xf32>
    %24 = vector.shape_cast %23 : vector<1x1x1024x48xf32> to vector<1024x48xf32>
    %25 = vector.shape_cast %11 : vector<1x1x1024x1024xf32> to vector<1024x1024xf32>
    %26 = vector.shape_cast %22 : vector<1x1x1024x48xf32> to vector<1024x48xf32>
    %27 = tpu.matmul %25, %24, %26 {dimension_numbers = #tpu.dot_dimension_numbers<[1], [0], [0], [1], [0, 0, 1, 1], [], []>, precision = #tpu.contract_precision<bf16>, transpose_lhs_hint = false} : vector<1024x1024xf32>, vector<1024x48xf32>, vector<1024x48xf32> -> vector<1024x48xf32>
    %28 = vector.shape_cast %27 : vector<1024x48xf32> to vector<1x1x1024x48xf32>
    %cst_2 = arith.constant dense<1.000000e+00> : vector<1x1x1024x1xf32>
    %29 = arith.divf %cst_2, %17 : vector<1x1x1024x1xf32>
    %30 = vector.broadcast %29 : vector<1x1x1024x1xf32> to vector<1x1x1024x48xf32>
    %31 = arith.mulf %28, %30 : vector<1x1x1024x48xf32>
    %32 = vector.shape_cast %31 : vector<1x1x1024x48xf32> to vector<1x1x1024x48xf32>
    vector.store %32, %arg6[%c0, %c0, %c0, %c0] : memref<1x1x1024x48xf32, #tpu.memory_space<vmem>>, vector<1x1x1024x48xf32>
    vector.store %5, %arg7[%c0, %c0, %c0, %c0] : memref<1x1x1024x1xf32, #tpu.memory_space<vmem>>, vector<1x1x1024x1xf32>
    vector.store %17, %arg8[%c0, %c0, %c0, %c0] : memref<1x1x1024x1xf32, #tpu.memory_space<vmem>>, vector<1x1x1024x1xf32>
    return
  }
  func.func @qk_fn(%arg0: i32, %arg1: i32, %arg2: i32, %arg3: i32) -> (i32, i32, i32, i32) {
    return %arg0, %arg1, %arg2, %arg3 : i32, i32, i32, i32
  }
  func.func @v_fn(%arg0: i32, %arg1: i32, %arg2: i32, %arg3: i32) -> (i32, i32, i32, i32) {
    %c0_i32 = arith.constant 0 : i32
    return %arg0, %arg1, %arg3, %c0_i32 : i32, i32, i32, i32
  }
  func.func @oi_fn(%arg0: i32, %arg1: i32, %arg2: i32, %arg3: i32) -> (i32, i32, i32, i32) {
    %c0_i32 = arith.constant 0 : i32
    return %arg0, %arg1, %arg2, %c0_i32 : i32, i32, i32, i32
  }
}

module attributes {stable_mosaic.version = 14 : i64} {
  func.func @_tail_kernel(%arg0: i32, %arg1: memref<1x1x2048xf32, #tpu.memory_space<vmem>>, %arg2: memref<1x1x2048xf32, #tpu.memory_space<vmem>>, %arg3: memref<1x256x1xf32, #tpu.memory_space<vmem>>, %arg4: memref<1x1x2048xf32, #tpu.memory_space<vmem>>) attributes {dimension_semantics = [#tpu.dimension_semantics<arbitrary>], iteration_bounds = array<i64: 16>, scalar_prefetch = 0 : i64, scratch_operands = 0 : i64, tpu.core_type = #tpu.core_type<tc>, window_params = [{transform_indices = @transform_0, window_bounds = array<i64: 1, 1, 2048>}, {transform_indices = @transform_1, window_bounds = array<i64: 1, 1, 2048>}, {transform_indices = @transform_2, window_bounds = array<i64: 1, 256, 1>}, {transform_indices = @transform_3, window_bounds = array<i64: 1, 1, 2048>}]} {
    %get3A = arith.constant 0 : index
    %get3A_0 = arith.constant 0 : index
    %get3A_1 = arith.constant 0 : index
    %get3A_2 = vector.load %arg1[%get3A, %get3A_0, %get3A_1] : memref<1x1x2048xf32, #tpu.memory_space<vmem>>, vector<1x1x2048xf32>
    %get3A_3 = vector.shape_cast %get3A_2 : vector<1x1x2048xf32> to vector<1x2048xf32>
    %add3A = arith.constant 9.99999968E-21 : f32
    %add3A_4 = vector.broadcast %add3A : f32 to vector<1x2048xf32>
    %add3A_5 = arith.addf %get3A_3, %add3A_4 : vector<1x2048xf32>
    %log3A = math.log %add3A_5 : vector<1x2048xf32>
    %get3A_6 = arith.constant 0 : index
    %get3A_7 = arith.constant 0 : index
    %get3A_8 = arith.constant 0 : index
    %get3A_9 = vector.load %arg2[%get3A_6, %get3A_7, %get3A_8] : memref<1x1x2048xf32, #tpu.memory_space<vmem>>, vector<1x1x2048xf32>
    %get3A_10 = vector.shape_cast %get3A_9 : vector<1x1x2048xf32> to vector<1x2048xf32>
    %add3A_11 = arith.addf %log3A, %get3A_10 : vector<1x2048xf32>
    %bitcast_convert_type3A = tpu.bitcast %add3A_11 : vector<1x2048xf32> -> vector<1x2048xi32>
    %ge3A = arith.constant 0 : i32
    %ge3A_12 = vector.broadcast %ge3A : i32 to vector<1x2048xi32>
    %ge3A_13 = arith.cmpi sge, %bitcast_convert_type3A, %ge3A_12 : vector<1x2048xi32>
    %xor3A = arith.constant 2147483647 : i32
    %xor3A_14 = vector.broadcast %xor3A : i32 to vector<1x2048xi32>
    %xor3A_15 = arith.xori %bitcast_convert_type3A, %xor3A_14 : vector<1x2048xi32>
    %select_n3A = arith.select %ge3A_13, %bitcast_convert_type3A, %xor3A_15 : vector<1x2048xi1>, vector<1x2048xi32>
    %broadcast_in_dim3A = arith.constant -2147483648 : i32
    %broadcast_in_dim3A_16 = vector.broadcast %broadcast_in_dim3A : i32 to vector<1x1xi32>
    %broadcast_in_dim3A_17 = arith.constant 2147483647 : i32
    %broadcast_in_dim3A_18 = vector.broadcast %broadcast_in_dim3A_17 : i32 to vector<1x1xi32>
    %scan3A = arith.constant 0 : i32
    %scan3A_19 = arith.constant 32 : i32
    %scan3A_20 = arith.addi %scan3A, %scan3A_19 : i32
    %scan3A_21 = arith.constant 1 : i32
    %scan3A_22:2 = scf.for %scan3A_193 = %scan3A to %scan3A_20 step %scan3A_21 iter_args(%scan3A_194 = %broadcast_in_dim3A_16, %scan3A_195 = %broadcast_in_dim3A_18) -> (vector<1x1xi32>, vector<1x1xi32>)  : i32 {
      %shift_right_arithmetic3A_196 = arith.constant 1 : i32
      %shift_right_arithmetic3A_197 = vector.broadcast %shift_right_arithmetic3A_196 : i32 to vector<1x1xi32>
      %shift_right_arithmetic3A_198 = arith.shrsi %scan3A_194, %shift_right_arithmetic3A_197 : vector<1x1xi32>
      %shift_right_arithmetic3A_199 = arith.constant 1 : i32
      %shift_right_arithmetic3A_200 = vector.broadcast %shift_right_arithmetic3A_199 : i32 to vector<1x1xi32>
      %shift_right_arithmetic3A_201 = arith.shrsi %scan3A_195, %shift_right_arithmetic3A_200 : vector<1x1xi32>
      %add3A_202 = arith.addi %shift_right_arithmetic3A_198, %shift_right_arithmetic3A_201 : vector<1x1xi32>
      %and3A_203 = arith.andi %scan3A_194, %scan3A_195 : vector<1x1xi32>
      %and3A_204 = arith.constant 1 : i32
      %and3A_205 = vector.broadcast %and3A_204 : i32 to vector<1x1xi32>
      %and3A_206 = arith.andi %and3A_203, %and3A_205 : vector<1x1xi32>
      %add3A_207 = arith.addi %add3A_202, %and3A_206 : vector<1x1xi32>
      %gt3A_208 = vector.broadcast %add3A_207 : vector<1x1xi32> to vector<1x2048xi32>
      %gt3A_209 = arith.cmpi sgt, %select_n3A, %gt3A_208 : vector<1x2048xi32>
      %jit3A_210 = arith.constant 1.000000e+00 : f32
      %jit3A_211 = arith.constant 0.000000e+00 : f32
      %broadcast_in_dim3A_212 = vector.broadcast %jit3A_210 : f32 to vector<1x2048xf32>
      %broadcast_in_dim3A_213 = vector.broadcast %jit3A_211 : f32 to vector<1x2048xf32>
      %select_n3A_214 = arith.select %gt3A_209, %broadcast_in_dim3A_212, %broadcast_in_dim3A_213 : vector<1x2048xi1>, vector<1x2048xf32>
      %reduce_sum3A_215 = vector.shape_cast %select_n3A_214 : vector<1x2048xf32> to vector<1x1x2048xf32>
      %reduce_sum3A_216 = arith.constant dense<0.000000e+00> : vector<1xf32>
      %reduce_sum3A_217 = vector.multi_reduction <add>, %reduce_sum3A_215, %reduce_sum3A_216 [1, 2] : vector<1x1x2048xf32> to vector<1xf32>
      %reduce_sum3A_218 = vector.shape_cast %reduce_sum3A_217 : vector<1xf32> to vector<1x1x1xf32>
      %reduce_sum3A_219 = vector.extract %reduce_sum3A_218[0, 0, 0] : f32 from vector<1x1x1xf32>
      %ge3A_220 = arith.constant 2.040000e+02 : f32
      %ge3A_221 = arith.cmpf oge, %reduce_sum3A_219, %ge3A_220 : f32
      %add3A_222 = arith.constant 1 : i32
      %add3A_223 = vector.broadcast %add3A_222 : i32 to vector<1x1xi32>
      %add3A_224 = arith.addi %add3A_207, %add3A_223 : vector<1x1xi32>
      %select_n3A_225 = arith.select %ge3A_221, %add3A_224, %scan3A_194 : vector<1x1xi32>
      %select_n3A_226 = arith.select %ge3A_221, %scan3A_195, %add3A_207 : vector<1x1xi32>
      scf.yield %select_n3A_225, %select_n3A_226 : vector<1x1xi32>, vector<1x1xi32>
    }
    %gt3A = vector.broadcast %scan3A_22#0 : vector<1x1xi32> to vector<1x2048xi32>
    %gt3A_23 = arith.cmpi sgt, %select_n3A, %gt3A : vector<1x2048xi32>
    %eq3A = vector.broadcast %scan3A_22#0 : vector<1x1xi32> to vector<1x2048xi32>
    %eq3A_24 = arith.cmpi eq, %select_n3A, %eq3A : vector<1x2048xi32>
    %jit3A = arith.constant 1.000000e+00 : f32
    %jit3A_25 = arith.constant 0.000000e+00 : f32
    %broadcast_in_dim3A_26 = vector.broadcast %jit3A : f32 to vector<1x2048xf32>
    %broadcast_in_dim3A_27 = vector.broadcast %jit3A_25 : f32 to vector<1x2048xf32>
    %select_n3A_28 = arith.select %gt3A_23, %broadcast_in_dim3A_26, %broadcast_in_dim3A_27 : vector<1x2048xi1>, vector<1x2048xf32>
    %reduce_sum3A = vector.shape_cast %select_n3A_28 : vector<1x2048xf32> to vector<1x1x2048xf32>
    %reduce_sum3A_29 = arith.constant dense<0.000000e+00> : vector<1xf32>
    %reduce_sum3A_30 = vector.multi_reduction <add>, %reduce_sum3A, %reduce_sum3A_29 [1, 2] : vector<1x1x2048xf32> to vector<1xf32>
    %reduce_sum3A_31 = vector.shape_cast %reduce_sum3A_30 : vector<1xf32> to vector<1x1x1xf32>
    %reduce_sum3A_32 = vector.extract %reduce_sum3A_31[0, 0, 0] : f32 from vector<1x1x1xf32>
    %jit3A_33 = arith.constant 1.000000e+00 : f32
    %jit3A_34 = arith.constant 0.000000e+00 : f32
    %broadcast_in_dim3A_35 = vector.broadcast %jit3A_33 : f32 to vector<1x2048xf32>
    %broadcast_in_dim3A_36 = vector.broadcast %jit3A_34 : f32 to vector<1x2048xf32>
    %select_n3A_37 = arith.select %eq3A_24, %broadcast_in_dim3A_35, %broadcast_in_dim3A_36 : vector<1x2048xi1>, vector<1x2048xf32>
    %broadcast_in_dim3A_38 = arith.constant 0.000000e+00 : f32
    %broadcast_in_dim3A_39 = vector.broadcast %broadcast_in_dim3A_38 : f32 to vector<1x1xf32>
    %slice3A = vector.extract_strided_slice %select_n3A_37 {offsets = [0, 0], sizes = [1, 2047], strides = [1, 1]} : vector<1x2048xf32> to vector<1x2047xf32>
    %concatenate3A = tpu.concatenate %broadcast_in_dim3A_39, %slice3A in 1 : vector<1x1xf32>, vector<1x2047xf32> -> vector<1x2048xf32>
    %add3A_40 = arith.addf %select_n3A_37, %concatenate3A : vector<1x2048xf32>
    %broadcast_in_dim3A_41 = arith.constant 0.000000e+00 : f32
    %broadcast_in_dim3A_42 = vector.broadcast %broadcast_in_dim3A_41 : f32 to vector<1x2xf32>
    %slice3A_43 = vector.extract_strided_slice %add3A_40 {offsets = [0, 0], sizes = [1, 2046], strides = [1, 1]} : vector<1x2048xf32> to vector<1x2046xf32>
    %concatenate3A_44 = tpu.concatenate %broadcast_in_dim3A_42, %slice3A_43 in 1 : vector<1x2xf32>, vector<1x2046xf32> -> vector<1x2048xf32>
    %add3A_45 = arith.addf %add3A_40, %concatenate3A_44 : vector<1x2048xf32>
    %broadcast_in_dim3A_46 = arith.constant 0.000000e+00 : f32
    %broadcast_in_dim3A_47 = vector.broadcast %broadcast_in_dim3A_46 : f32 to vector<1x4xf32>
    %slice3A_48 = vector.extract_strided_slice %add3A_45 {offsets = [0, 0], sizes = [1, 2044], strides = [1, 1]} : vector<1x2048xf32> to vector<1x2044xf32>
    %concatenate3A_49 = tpu.concatenate %broadcast_in_dim3A_47, %slice3A_48 in 1 : vector<1x4xf32>, vector<1x2044xf32> -> vector<1x2048xf32>
    %add3A_50 = arith.addf %add3A_45, %concatenate3A_49 : vector<1x2048xf32>
    %broadcast_in_dim3A_51 = arith.constant 0.000000e+00 : f32
    %broadcast_in_dim3A_52 = vector.broadcast %broadcast_in_dim3A_51 : f32 to vector<1x8xf32>
    %slice3A_53 = vector.extract_strided_slice %add3A_50 {offsets = [0, 0], sizes = [1, 2040], strides = [1, 1]} : vector<1x2048xf32> to vector<1x2040xf32>
    %concatenate3A_54 = tpu.concatenate %broadcast_in_dim3A_52, %slice3A_53 in 1 : vector<1x8xf32>, vector<1x2040xf32> -> vector<1x2048xf32>
    %add3A_55 = arith.addf %add3A_50, %concatenate3A_54 : vector<1x2048xf32>
    %broadcast_in_dim3A_56 = arith.constant 0.000000e+00 : f32
    %broadcast_in_dim3A_57 = vector.broadcast %broadcast_in_dim3A_56 : f32 to vector<1x16xf32>
    %slice3A_58 = vector.extract_strided_slice %add3A_55 {offsets = [0, 0], sizes = [1, 2032], strides = [1, 1]} : vector<1x2048xf32> to vector<1x2032xf32>
    %concatenate3A_59 = tpu.concatenate %broadcast_in_dim3A_57, %slice3A_58 in 1 : vector<1x16xf32>, vector<1x2032xf32> -> vector<1x2048xf32>
    %add3A_60 = arith.addf %add3A_55, %concatenate3A_59 : vector<1x2048xf32>
    %broadcast_in_dim3A_61 = arith.constant 0.000000e+00 : f32
    %broadcast_in_dim3A_62 = vector.broadcast %broadcast_in_dim3A_61 : f32 to vector<1x32xf32>
    %slice3A_63 = vector.extract_strided_slice %add3A_60 {offsets = [0, 0], sizes = [1, 2016], strides = [1, 1]} : vector<1x2048xf32> to vector<1x2016xf32>
    %concatenate3A_64 = tpu.concatenate %broadcast_in_dim3A_62, %slice3A_63 in 1 : vector<1x32xf32>, vector<1x2016xf32> -> vector<1x2048xf32>
    %add3A_65 = arith.addf %add3A_60, %concatenate3A_64 : vector<1x2048xf32>
    %broadcast_in_dim3A_66 = arith.constant 0.000000e+00 : f32
    %broadcast_in_dim3A_67 = vector.broadcast %broadcast_in_dim3A_66 : f32 to vector<1x64xf32>
    %slice3A_68 = vector.extract_strided_slice %add3A_65 {offsets = [0, 0], sizes = [1, 1984], strides = [1, 1]} : vector<1x2048xf32> to vector<1x1984xf32>
    %concatenate3A_69 = tpu.concatenate %broadcast_in_dim3A_67, %slice3A_68 in 1 : vector<1x64xf32>, vector<1x1984xf32> -> vector<1x2048xf32>
    %add3A_70 = arith.addf %add3A_65, %concatenate3A_69 : vector<1x2048xf32>
    %broadcast_in_dim3A_71 = arith.constant 0.000000e+00 : f32
    %broadcast_in_dim3A_72 = vector.broadcast %broadcast_in_dim3A_71 : f32 to vector<1x128xf32>
    %slice3A_73 = vector.extract_strided_slice %add3A_70 {offsets = [0, 0], sizes = [1, 1920], strides = [1, 1]} : vector<1x2048xf32> to vector<1x1920xf32>
    %concatenate3A_74 = tpu.concatenate %broadcast_in_dim3A_72, %slice3A_73 in 1 : vector<1x128xf32>, vector<1x1920xf32> -> vector<1x2048xf32>
    %add3A_75 = arith.addf %add3A_70, %concatenate3A_74 : vector<1x2048xf32>
    %broadcast_in_dim3A_76 = arith.constant 0.000000e+00 : f32
    %broadcast_in_dim3A_77 = vector.broadcast %broadcast_in_dim3A_76 : f32 to vector<1x256xf32>
    %slice3A_78 = vector.extract_strided_slice %add3A_75 {offsets = [0, 0], sizes = [1, 1792], strides = [1, 1]} : vector<1x2048xf32> to vector<1x1792xf32>
    %concatenate3A_79 = tpu.concatenate %broadcast_in_dim3A_77, %slice3A_78 in 1 : vector<1x256xf32>, vector<1x1792xf32> -> vector<1x2048xf32>
    %add3A_80 = arith.addf %add3A_75, %concatenate3A_79 : vector<1x2048xf32>
    %broadcast_in_dim3A_81 = arith.constant 0.000000e+00 : f32
    %broadcast_in_dim3A_82 = vector.broadcast %broadcast_in_dim3A_81 : f32 to vector<1x512xf32>
    %slice3A_83 = vector.extract_strided_slice %add3A_80 {offsets = [0, 0], sizes = [1, 1536], strides = [1, 1]} : vector<1x2048xf32> to vector<1x1536xf32>
    %concatenate3A_84 = tpu.concatenate %broadcast_in_dim3A_82, %slice3A_83 in 1 : vector<1x512xf32>, vector<1x1536xf32> -> vector<1x2048xf32>
    %add3A_85 = arith.addf %add3A_80, %concatenate3A_84 : vector<1x2048xf32>
    %broadcast_in_dim3A_86 = arith.constant 0.000000e+00 : f32
    %broadcast_in_dim3A_87 = vector.broadcast %broadcast_in_dim3A_86 : f32 to vector<1x1024xf32>
    %slice3A_88 = vector.extract_strided_slice %add3A_85 {offsets = [0, 0], sizes = [1, 1024], strides = [1, 1]} : vector<1x2048xf32> to vector<1x1024xf32>
    %concatenate3A_89 = tpu.concatenate %broadcast_in_dim3A_87, %slice3A_88 in 1 : vector<1x1024xf32>, vector<1x1024xf32> -> vector<1x2048xf32>
    %add3A_90 = arith.addf %add3A_85, %concatenate3A_89 : vector<1x2048xf32>
    %sub3A = arith.constant 2.040000e+02 : f32
    %sub3A_91 = arith.subf %sub3A, %reduce_sum3A_32 : f32
    %le3A = vector.broadcast %sub3A_91 : f32 to vector<1x2048xf32>
    %le3A_92 = arith.cmpf ole, %add3A_90, %le3A : vector<1x2048xf32>
    %and3A = arith.andi %eq3A_24, %le3A_92 : vector<1x2048xi1>
    %or3A = arith.ori %gt3A_23, %and3A : vector<1x2048xi1>
    %jit3A_93 = arith.constant 1.000000e+00 : f32
    %jit3A_94 = arith.constant 0.000000e+00 : f32
    %broadcast_in_dim3A_95 = vector.broadcast %jit3A_93 : f32 to vector<1x2048xf32>
    %broadcast_in_dim3A_96 = vector.broadcast %jit3A_94 : f32 to vector<1x2048xf32>
    %select_n3A_97 = arith.select %or3A, %broadcast_in_dim3A_95, %broadcast_in_dim3A_96 : vector<1x2048xi1>, vector<1x2048xf32>
    %sub3A_98 = arith.constant 1.000000e+00 : f32
    %sub3A_99 = vector.broadcast %sub3A_98 : f32 to vector<1x2048xf32>
    %sub3A_100 = arith.subf %sub3A_99, %select_n3A_97 : vector<1x2048xf32>
    %swap3A = arith.constant 0 : index
    %swap3A_101 = arith.constant 0 : index
    %swap3A_102 = arith.constant 0 : index
    %swap3A_103 = vector.load %arg4[%swap3A, %swap3A_101, %swap3A_102] : memref<1x1x2048xf32, #tpu.memory_space<vmem>>, vector<1x1x2048xf32>
    %swap3A_104 = vector.shape_cast %swap3A_103 : vector<1x1x2048xf32> to vector<1x2048xf32>
    %swap3A_105 = vector.shape_cast %sub3A_100 : vector<1x2048xf32> to vector<1x1x2048xf32>
    tpu.vector_store %arg4[%swap3A, %swap3A_101, %swap3A_102], %swap3A_105 {strides = array<i32>} : memref<1x1x2048xf32, #tpu.memory_space<vmem>>, vector<1x1x2048xf32>,
    %broadcast_in_dim3A_106 = arith.constant 0.000000e+00 : f32
    %broadcast_in_dim3A_107 = vector.broadcast %broadcast_in_dim3A_106 : f32 to vector<1x1xf32>
    %slice3A_108 = vector.extract_strided_slice %select_n3A_97 {offsets = [0, 0], sizes = [1, 2047], strides = [1, 1]} : vector<1x2048xf32> to vector<1x2047xf32>
    %concatenate3A_109 = tpu.concatenate %broadcast_in_dim3A_107, %slice3A_108 in 1 : vector<1x1xf32>, vector<1x2047xf32> -> vector<1x2048xf32>
    %add3A_110 = arith.addf %select_n3A_97, %concatenate3A_109 : vector<1x2048xf32>
    %broadcast_in_dim3A_111 = arith.constant 0.000000e+00 : f32
    %broadcast_in_dim3A_112 = vector.broadcast %broadcast_in_dim3A_111 : f32 to vector<1x2xf32>
    %slice3A_113 = vector.extract_strided_slice %add3A_110 {offsets = [0, 0], sizes = [1, 2046], strides = [1, 1]} : vector<1x2048xf32> to vector<1x2046xf32>
    %concatenate3A_114 = tpu.concatenate %broadcast_in_dim3A_112, %slice3A_113 in 1 : vector<1x2xf32>, vector<1x2046xf32> -> vector<1x2048xf32>
    %add3A_115 = arith.addf %add3A_110, %concatenate3A_114 : vector<1x2048xf32>
    %broadcast_in_dim3A_116 = arith.constant 0.000000e+00 : f32
    %broadcast_in_dim3A_117 = vector.broadcast %broadcast_in_dim3A_116 : f32 to vector<1x4xf32>
    %slice3A_118 = vector.extract_strided_slice %add3A_115 {offsets = [0, 0], sizes = [1, 2044], strides = [1, 1]} : vector<1x2048xf32> to vector<1x2044xf32>
    %concatenate3A_119 = tpu.concatenate %broadcast_in_dim3A_117, %slice3A_118 in 1 : vector<1x4xf32>, vector<1x2044xf32> -> vector<1x2048xf32>
    %add3A_120 = arith.addf %add3A_115, %concatenate3A_119 : vector<1x2048xf32>
    %broadcast_in_dim3A_121 = arith.constant 0.000000e+00 : f32
    %broadcast_in_dim3A_122 = vector.broadcast %broadcast_in_dim3A_121 : f32 to vector<1x8xf32>
    %slice3A_123 = vector.extract_strided_slice %add3A_120 {offsets = [0, 0], sizes = [1, 2040], strides = [1, 1]} : vector<1x2048xf32> to vector<1x2040xf32>
    %concatenate3A_124 = tpu.concatenate %broadcast_in_dim3A_122, %slice3A_123 in 1 : vector<1x8xf32>, vector<1x2040xf32> -> vector<1x2048xf32>
    %add3A_125 = arith.addf %add3A_120, %concatenate3A_124 : vector<1x2048xf32>
    %broadcast_in_dim3A_126 = arith.constant 0.000000e+00 : f32
    %broadcast_in_dim3A_127 = vector.broadcast %broadcast_in_dim3A_126 : f32 to vector<1x16xf32>
    %slice3A_128 = vector.extract_strided_slice %add3A_125 {offsets = [0, 0], sizes = [1, 2032], strides = [1, 1]} : vector<1x2048xf32> to vector<1x2032xf32>
    %concatenate3A_129 = tpu.concatenate %broadcast_in_dim3A_127, %slice3A_128 in 1 : vector<1x16xf32>, vector<1x2032xf32> -> vector<1x2048xf32>
    %add3A_130 = arith.addf %add3A_125, %concatenate3A_129 : vector<1x2048xf32>
    %broadcast_in_dim3A_131 = arith.constant 0.000000e+00 : f32
    %broadcast_in_dim3A_132 = vector.broadcast %broadcast_in_dim3A_131 : f32 to vector<1x32xf32>
    %slice3A_133 = vector.extract_strided_slice %add3A_130 {offsets = [0, 0], sizes = [1, 2016], strides = [1, 1]} : vector<1x2048xf32> to vector<1x2016xf32>
    %concatenate3A_134 = tpu.concatenate %broadcast_in_dim3A_132, %slice3A_133 in 1 : vector<1x32xf32>, vector<1x2016xf32> -> vector<1x2048xf32>
    %add3A_135 = arith.addf %add3A_130, %concatenate3A_134 : vector<1x2048xf32>
    %broadcast_in_dim3A_136 = arith.constant 0.000000e+00 : f32
    %broadcast_in_dim3A_137 = vector.broadcast %broadcast_in_dim3A_136 : f32 to vector<1x64xf32>
    %slice3A_138 = vector.extract_strided_slice %add3A_135 {offsets = [0, 0], sizes = [1, 1984], strides = [1, 1]} : vector<1x2048xf32> to vector<1x1984xf32>
    %concatenate3A_139 = tpu.concatenate %broadcast_in_dim3A_137, %slice3A_138 in 1 : vector<1x64xf32>, vector<1x1984xf32> -> vector<1x2048xf32>
    %add3A_140 = arith.addf %add3A_135, %concatenate3A_139 : vector<1x2048xf32>
    %broadcast_in_dim3A_141 = arith.constant 0.000000e+00 : f32
    %broadcast_in_dim3A_142 = vector.broadcast %broadcast_in_dim3A_141 : f32 to vector<1x128xf32>
    %slice3A_143 = vector.extract_strided_slice %add3A_140 {offsets = [0, 0], sizes = [1, 1920], strides = [1, 1]} : vector<1x2048xf32> to vector<1x1920xf32>
    %concatenate3A_144 = tpu.concatenate %broadcast_in_dim3A_142, %slice3A_143 in 1 : vector<1x128xf32>, vector<1x1920xf32> -> vector<1x2048xf32>
    %add3A_145 = arith.addf %add3A_140, %concatenate3A_144 : vector<1x2048xf32>
    %broadcast_in_dim3A_146 = arith.constant 0.000000e+00 : f32
    %broadcast_in_dim3A_147 = vector.broadcast %broadcast_in_dim3A_146 : f32 to vector<1x256xf32>
    %slice3A_148 = vector.extract_strided_slice %add3A_145 {offsets = [0, 0], sizes = [1, 1792], strides = [1, 1]} : vector<1x2048xf32> to vector<1x1792xf32>
    %concatenate3A_149 = tpu.concatenate %broadcast_in_dim3A_147, %slice3A_148 in 1 : vector<1x256xf32>, vector<1x1792xf32> -> vector<1x2048xf32>
    %add3A_150 = arith.addf %add3A_145, %concatenate3A_149 : vector<1x2048xf32>
    %broadcast_in_dim3A_151 = arith.constant 0.000000e+00 : f32
    %broadcast_in_dim3A_152 = vector.broadcast %broadcast_in_dim3A_151 : f32 to vector<1x512xf32>
    %slice3A_153 = vector.extract_strided_slice %add3A_150 {offsets = [0, 0], sizes = [1, 1536], strides = [1, 1]} : vector<1x2048xf32> to vector<1x1536xf32>
    %concatenate3A_154 = tpu.concatenate %broadcast_in_dim3A_152, %slice3A_153 in 1 : vector<1x512xf32>, vector<1x1536xf32> -> vector<1x2048xf32>
    %add3A_155 = arith.addf %add3A_150, %concatenate3A_154 : vector<1x2048xf32>
    %broadcast_in_dim3A_156 = arith.constant 0.000000e+00 : f32
    %broadcast_in_dim3A_157 = vector.broadcast %broadcast_in_dim3A_156 : f32 to vector<1x1024xf32>
    %slice3A_158 = vector.extract_strided_slice %add3A_155 {offsets = [0, 0], sizes = [1, 1024], strides = [1, 1]} : vector<1x2048xf32> to vector<1x1024xf32>
    %concatenate3A_159 = tpu.concatenate %broadcast_in_dim3A_157, %slice3A_158 in 1 : vector<1x1024xf32>, vector<1x1024xf32> -> vector<1x2048xf32>
    %add3A_160 = arith.addf %add3A_155, %concatenate3A_159 : vector<1x2048xf32>
    %sub3A_161 = arith.constant 1.000000e+00 : f32
    %sub3A_162 = vector.broadcast %sub3A_161 : f32 to vector<1x2048xf32>
    %sub3A_163 = arith.subf %add3A_160, %sub3A_162 : vector<1x2048xf32>
    %convert_element_type3A = arith.fptosi %sub3A_163 : vector<1x2048xf32> to vector<1x2048xi32>
    %iota3A = tpu.iota {dimensions = array<i32: 0>} : vector<256x2048xi32>
    %eq3A_164 = vector.broadcast %convert_element_type3A : vector<1x2048xi32> to vector<256x2048xi32>
    %eq3A_165 = arith.cmpi eq, %iota3A, %eq3A_164 : vector<256x2048xi32>
    %and3A_166 = vector.broadcast %or3A : vector<1x2048xi1> to vector<256x2048xi1>
    %and3A_167 = arith.andi %eq3A_165, %and3A_166 : vector<256x2048xi1>
    %jit3A_168 = arith.constant 1.000000e+00 : f32
    %jit3A_169 = arith.constant 0.000000e+00 : f32
    %broadcast_in_dim3A_170 = vector.broadcast %jit3A_168 : f32 to vector<256x2048xf32>
    %broadcast_in_dim3A_171 = vector.broadcast %jit3A_169 : f32 to vector<256x2048xf32>
    %select_n3A_172 = arith.select %and3A_167, %broadcast_in_dim3A_170, %broadcast_in_dim3A_171 : vector<256x2048xi1>, vector<256x2048xf32>
    %iota3A_173 = tpu.iota {dimensions = array<i32: 0>} : vector<2048x1xi32>
    %shift_right_arithmetic3A = arith.constant 8 : i32
    %shift_right_arithmetic3A_174 = vector.broadcast %shift_right_arithmetic3A : i32 to vector<2048x1xi32>
    %shift_right_arithmetic3A_175 = arith.shrsi %iota3A_173, %shift_right_arithmetic3A_174 : vector<2048x1xi32>
    %convert_element_type3A_176 = arith.sitofp %shift_right_arithmetic3A_175 : vector<2048x1xi32> to vector<2048x1xf32>
    %and3A_177 = arith.constant 255 : i32
    %and3A_178 = vector.broadcast %and3A_177 : i32 to vector<2048x1xi32>
    %and3A_179 = arith.andi %iota3A_173, %and3A_178 : vector<2048x1xi32>
    %convert_element_type3A_180 = arith.sitofp %and3A_179 : vector<2048x1xi32> to vector<2048x1xf32>
    %dot_general3A = arith.constant dense<0.000000e+00> : vector<256x1xf32>
    %dot_general3A_181 = tpu.matmul %select_n3A_172, %convert_element_type3A_176, %dot_general3A {dimension_numbers = #tpu.dot_dimension_numbers<[1], [0], [0], [1], [0, 0, 1, 1], [], []>, transpose_lhs_hint = false} : vector<256x2048xf32>, vector<2048x1xf32>, vector<256x1xf32> -> vector<256x1xf32>
    %mul3A = arith.constant 2.560000e+02 : f32
    %mul3A_182 = vector.broadcast %mul3A : f32 to vector<256x1xf32>
    %mul3A_183 = arith.mulf %mul3A_182, %dot_general3A_181 : vector<256x1xf32>
    %dot_general3A_184 = arith.constant dense<0.000000e+00> : vector<256x1xf32>
    %dot_general3A_185 = tpu.matmul %select_n3A_172, %convert_element_type3A_180, %dot_general3A_184 {dimension_numbers = #tpu.dot_dimension_numbers<[1], [0], [0], [1], [0, 0, 1, 1], [], []>, transpose_lhs_hint = false} : vector<256x2048xf32>, vector<2048x1xf32>, vector<256x1xf32> -> vector<256x1xf32>
    %add3A_186 = arith.addf %mul3A_183, %dot_general3A_185 : vector<256x1xf32>
    %swap3A_187 = arith.constant 0 : index
    %swap3A_188 = arith.constant 0 : index
    %swap3A_189 = arith.constant 0 : index
    %swap3A_190 = vector.load %arg3[%swap3A_187, %swap3A_188, %swap3A_189] : memref<1x256x1xf32, #tpu.memory_space<vmem>>, vector<1x256x1xf32>
    %swap3A_191 = vector.shape_cast %swap3A_190 : vector<1x256x1xf32> to vector<256x1xf32>
    %swap3A_192 = vector.shape_cast %add3A_186 : vector<256x1xf32> to vector<1x256x1xf32>
    tpu.vector_store %arg3[%swap3A_187, %swap3A_188, %swap3A_189], %swap3A_192 {strides = array<i32>} : memref<1x256x1xf32, #tpu.memory_space<vmem>>, vector<1x256x1xf32>,
    return
  }
  func.func @transform_0(%arg0: i32) -> (i32, i32, i32) {
    %c0_i32 = arith.constant 0 : i32
    %c0_i32_0 = arith.constant 0 : i32
    %c0_i32_1 = arith.constant 0 : i32
    return %arg0, %c0_i32, %c0_i32_0 : i32, i32, i32
  }
  func.func @transform_1(%arg0: i32) -> (i32, i32, i32) {
    %c0_i32 = arith.constant 0 : i32
    %c0_i32_0 = arith.constant 0 : i32
    %c0_i32_1 = arith.constant 0 : i32
    return %arg0, %c0_i32, %c0_i32_0 : i32, i32, i32
  }
  func.func @transform_2(%arg0: i32) -> (i32, i32, i32) {
    %c0_i32 = arith.constant 0 : i32
    %c0_i32_0 = arith.constant 0 : i32
    %c0_i32_1 = arith.constant 0 : i32
    return %arg0, %c0_i32, %c0_i32_0 : i32, i32, i32
  }
  func.func @transform_3(%arg0: i32) -> (i32, i32, i32) {
    %c0_i32 = arith.constant 0 : i32
    %c0_i32_0 = arith.constant 0 : i32
    %c0_i32_1 = arith.constant 0 : i32
    return %arg0, %c0_i32, %c0_i32_0 : i32, i32, i32
  }
}

</mosaic_0001>

<sc_bundles>
// kernel: kernel.4.cloned.1.call-start
scs
__scs_entry_jumppad:
0x0: {  	(pc) =	sbr.rel $0x88, $3  }
0x1: {  	(tag) =	ssettag $0x0;
	lr =	simm.s32 $0x1  }
0x2: {  	[smem:$0x3F8E] =	sst lr;
	_ =	strace $0xD0000000  }
0x3: {  	_ = 	snop  }
0x4: {  	_ = 	snop  }
0x5: {  	_ = 	snop  }
0x6: {  	_ = 	snop  }
0x7: {  	_ = 	snop  }
__scs_overlays_trampoline_lowered:
0x8: {  	[smem:$0x3F9D] =	sst s0  }
0x9: {  	[smem:$0x3F9E] =	sst s1  }
0xa: {  	[smem:$0x3F9F] =	sst s2  }
0xb: {  	[smem:$0x3FA0] =	sst s3  }
0xc: {  	[smem:$0x3FA1] =	sst s4  }
0xd: {  	[smem:$0x3FA2] =	sst s5  }
0xe: {  	[smem:$0x3FA3] =	sst s6  }
0xf: {  	[smem:$0x3FA4] =	sst s7  }
0x10: {  	[smem:$0x3FA5] =	sst s8  }
0x11: {  	[smem:$0x3FA6] =	sst s9;
	s0 =	simm.s32 @!p0 $0x0  }
0x12: {  	s1 =	sld [smem:$0x3F8C];
	s0 =	simm.s32 @p0 $0x1  }
0x13: {  	[smem:$0x3FA7] =	sst s0;
	s0 =	simm.s32 @!p1 $0x0  }
0x14: {  	s2 =	sld [smem:$0x3F8B];
	s0 =	simm.s32 @p1 $0x1  }
0x15: {  	[smem:$0x3FA8] =	sst s0;
	s0 =	simm.s32 @!p2 $0x0  }
0x16: {  	s3 =	sld [smem:$0x3FDB];
	s0 =	simm.s32 @p2 $0x1  }
0x17: {  	s4 =	simm.s32 $0x1BF5;
	[smem:$0x3FAA] =	sst s0  }
0x18: {  	s0 =	sld [smem:$0x3F8D];
	_ =	swait.ge [sflag:s4], $0x0  }
0x19: {  	s7 =	sld [smem:$0x3F8E]  }
0x1a: {  	s8 =	sadd.s32 $0xFFFFE003, lr  }
0x1b: {  	s9 =	sadd.s32 $0xFFFFFEF7, lr;
	s5 =	simm.s32 $0xFFFFFFFF;
	p2 =	slt.u32 s8, $0xFFFFF086  }
0x1c: {  	p1 =	slt.u32 s9, $0xF7A;
	s5 =	simm.s32 @!p2 $0x0  }
0x1d: {  	s5 =	simm.s32 @p1 $0x1;
	p0 =	seq.s32 s7, s2  }
0x1e: {  	s7 =	smul.u32 @!p0 $0xF7A, s2;
	p2 =	seq.s32 @!p0 s5, $0x0  }
0x1f: {  	s9 =	smul.u32 $0xF7A, s1;
	s8 =	simm.s32 @!p0 $0x1BF5;
	p2 =	por !p2, p0  }
0x20: {  	[sflag:s8] =	ssyncset.s32 @!p0 $0xFFFFF086;
	s6 =	sadd.s32 @!p0 s3, s7;
	s7 =	simm.s32 @!p0 $0x108  }
0x21: {  	s3 =	sadd.s32 s3, s9;
	s6 =	sadd.s32 @!p0 $0x88, s6;
	s7 =	simm.s32 @p2 $0x1082  }
0x22: {  	[simem:s7], [sflag:s8] =	dma.local @!p0 [hbm:s6], $0xF7A  }
0x23: {  	s9 =	sor.u32 $0xD0000000, s2;
	s6 =	simm.s32 $0x108;
	_ =	swait.ge @!p0 [sflag:s8], $0x0  }
0x24: {  	s3 =	sadd.s32 $0x88, s3;
	s6 =	simm.s32 @!p1 $0x1082;
	[sflag:s4] =	ssyncset.s32 $0xFFFFF086  }
0x25: {  	[simem:s6], [sflag:s4] =	dma.local [hbm:s3], $0xF7A  }
0x26: {  	[smem:$0x3F8E] =	sst s1;
	(tag) =	ssettag s2;
	_ =	strace s9  }
0x27: {  	s1 =	sld [smem:$0x3F9E]  }
0x28: {  	s2 =	sld [smem:$0x3F9F]  }
0x29: {  	s4 =	sld [smem:$0x3FA1]  }
0x2a: {  	p0 =	seq.s32 s5, $0x0;
	s5 =	sld [smem:$0x3FA2]  }
0x2b: {  	s6 =	sld [smem:$0x3FA3]  }
0x2c: {  	s7 =	sld [smem:$0x3FA4]  }
0x2d: {  	s3 =	simm.s32 $0x108;
	s8 =	sld [smem:$0x3FA5]  }
0x2e: {  	s3 =	simm.s32 @!p0 $0x1082;
	s9 =	sld [smem:$0x3FA6]  }
0x2f: {  	lr =	sadd.s32 s0, s3;
	s0 =	sld [smem:$0x3F9D]  }
0x30: {  	s3 =	sld [smem:$0x3FA0]  }
0x31: {  	[smem:$0x3FA9] =	sst s10  }
0x32: {  	s10 =	sld [smem:$0x3FA7];
	_ =	sdelay $0x3  }
0x33: {  	p0 =	seq.s32 s10, $0x1;
	s10 =	sld [smem:$0x3FA9];
	_ =	sdelay $0x3  }
0x34: {  	[smem:$0x3FA9] =	sst s10  }
0x35: {  	s10 =	sld [smem:$0x3FA8];
	_ =	sdelay $0x3  }
0x36: {  	p1 =	seq.s32 s10, $0x1;
	s10 =	sld [smem:$0x3FA9];
	_ =	sdelay $0x3  }
0x37: {  	[smem:$0x3FA9] =	sst s10  }
0x38: {  	s10 =	sld [smem:$0x3FAA]  }
0x39: {  	_ = 	snop;
	(pc) =	sbr.ind lr, $3  }
0x3a: {  	_ = 	snop  }
0x3b: {  	_ = 	snop  }
0x3c: {  	p2 =	seq.s32 s10, $0x1;
	s10 =	sld [smem:$0x3FA9]  }
0x3d: {  	_ =	shalt  }
0x3e: {  	_ =	shalt  }
0x3f: {  	_ =	shalt  }
0x40: {  	_ =	shalt  }
0x41: {  	_ =	shalt  }
0x42: {  	_ =	shalt  }
0x43: {  	_ =	shalt  }
0x44: {  	_ =	shalt  }
0x45: {  	_ =	shalt  }
0x46: {  	_ =	shalt  }
0x47: {  	_ =	shalt  }
0x48: {  	_ =	shalt  }
0x49: {  	_ =	shalt  }
0x4a: {  	_ =	shalt  }
0x4b: {  	_ =	shalt  }
0x4c: {  	_ =	shalt  }
0x4d: {  	_ =	shalt  }
0x4e: {  	_ =	shalt  }
0x4f: {  	_ =	shalt  }
0x50: {  	_ =	shalt  }
0x51: {  	_ =	shalt  }
0x52: {  	_ =	shalt  }
0x53: {  	_ =	shalt  }
0x54: {  	_ =	shalt  }
0x55: {  	_ =	shalt  }
0x56: {  	_ =	shalt  }
0x57: {  	_ =	shalt  }
0x58: {  	_ =	shalt  }
0x59: {  	_ =	shalt  }
0x5a: {  	_ =	shalt  }
0x5b: {  	_ =	shalt  }
0x5c: {  	_ =	shalt  }
0x5d: {  	_ =	shalt  }
0x5e: {  	_ =	shalt  }
0x5f: {  	_ =	shalt  }
0x60: {  	_ =	shalt  }
0x61: {  	_ =	shalt  }
0x62: {  	_ =	shalt  }
0x63: {  	_ =	shalt  }
0x64: {  	_ =	shalt  }
0x65: {  	_ =	shalt  }
0x66: {  	_ =	shalt  }
0x67: {  	_ =	shalt  }
0x68: {  	_ =	shalt  }
0x69: {  	_ =	shalt  }
0x6a: {  	_ =	shalt  }
0x6b: {  	_ =	shalt  }
0x6c: {  	_ =	shalt  }
0x6d: {  	_ =	shalt  }
0x6e: {  	_ =	shalt  }
0x6f: {  	_ =	shalt  }
0x70: {  	_ =	shalt  }
0x71: {  	_ =	shalt  }
0x72: {  	_ =	shalt  }
0x73: {  	_ =	shalt  }
0x74: {  	_ =	shalt  }
0x75: {  	_ =	shalt  }
0x76: {  	_ =	shalt  }
0x77: {  	_ =	shalt  }
0x78: {  	_ =	shalt  }
0x79: {  	_ =	shalt  }
0x7a: {  	_ =	shalt  }
0x7b: {  	_ =	shalt  }
0x7c: {  	_ =	shalt  }
0x7d: {  	_ =	shalt  }
0x7e: {  	_ =	shalt  }
0x7f: {  	_ =	shalt  }
0x80: {  	_ =	shalt  }
0x81: {  	_ =	shalt  }
0x82: {  	_ =	shalt  }
0x83: {  	_ =	shalt  }
0x84: {  	_ =	shalt  }
0x85: {  	_ =	shalt  }
0x86: {  	_ =	shalt  }
0x87: {  	_ =	shalt  }
.Lfunc_end0:
.L_simem_size_0:
called_computation.1_lowered:
.L_overlay_start_0:
0x88: {  	s2 =	sld [smem:$0x3FD9]  }
0x89: {  	s3 =	sld [smem:$0x3FFE];
	_ =	sdelay $0x1  }
0x8a: {  	s1 =	srdreg.scid  }
0x8b: {  	s0 =	sand.u32 $0x1, s1  }
0x8c: {  	s14 =	sshll.u32 s0, $0xA;
	s2 =	sadd.s32 s3, s2  }
0x8d: {  	s2 =	sadd.s32 s2, s14  }
0x8e: {  	[smem:$0x3FB5] =	sst s2  }
0x8f: {  	_ = 	snop  }
0x90: {  	s2 =	sld [smem:$0x3FD0];
	_ =	sdelay $0x2  }
0x91: {  	s15 =	simm.s32 $0xA;
	s4 =	simm.s32 $0x10  }
0x92: {  	[smem:s4], [sflag:s15] =	dma.local [hbm:s2], $0x1  }
0x93: {  	_ =	swait.eq [sflag:s15], $0x1  }
0x94: {  	[sflag:s15] =	ssyncset.done $0x0  }
0x95: {  	[sflag:s15] =	ssyncadd.s32 $0xFFFFFFFF  }
0x96: {  	s16 =	sld [smem:$0x11];
	(tm) =	ssettm $0x1  }
0x97: {  	s17 =	sld [smem:$0x3FFB];
	_ =	sdelay $0x3  }
0x98: {  	_ =	strace s17  }
0x99: {  	s3 =	sld [smem:$0x3FFC];
	_ =	sdelay $0x3  }
0x9a: {  	_ =	strace s3  }
0x9b: {  	s3 =	sld [smem:$0x3FFD];
	_ =	sdelay $0x3  }
0x9c: {  	_ =	strace s3  }
0x9d: {  	_ =	strace $0x8FFFFFFF  }
0x9e: {  	s18 =	sld [smem:$0x3FDB];
	_ =	sdelay $0x1  }
0x9f: {  	s19 =	simm.s32 $_scs_section_size  }
0xa0: {  	s5 =	simm.s32 $_size__tile_overlayer_lowered;
	s6 =	simm.s32 $_tile_overlayer_lowered  }
0xa1: {  	s22 =	simm.s32 $0x1BFF;
	s21 =	sshll.u32 s6, $0x1;
	s3 =	sadd.s32 s19, s18  }
0xa2: {  	s7 =	simm.s32 $0x0;
	s20 =	sshll.u32 s5, $0x1;
	s5 =	sadd.s32 s21, s3  }
0xa3: {  	[timem:s7], [sflag:s22] =	dma.local [hbm:s5], s20  }
0xa4: {  	_ =	swait.ge [sflag:s22], s20  }
0xa5: {  	s4 =	ssub.s32 $0x0, s20;
	[sflag:s22] =	ssyncset.done $0x0  }
0xa6: {  	[sflag:s22] =	ssyncadd.s32 s4;
	_ =	sdelay $0x1  }
0xa7: {  	s23 =	simm.s32 $0x1B8B  }
0xa8: {  	_ =	swait.ge [sflag:s23], $0x1  }
0xa9: {  	[sflag:s23] =	ssyncset.done $0x0  }
0xaa: {  	s25 =	simm.s32 $0x1B8E;
	s24 =	sld [smem:$0x3FFE];
	[sflag:s23] =	ssyncadd.s32 $0xFFFFFFFF  }
0xab: {  	s26 =	simm.s32 $execute0_lowered;
	[smem:$0x3FD2] =	sst s25  }
0xac: {  	s5 =	sshll.u32 s26, $0x1;
	_ =	strace $0x80000049;
	[dreg:$0x1] =	wrdreg $0xFFFFFFFF  }
0xad: {  	s28 =	simm.s32 $_size_execute0_lowered;
	s3 =	sadd.s32 s3, s5;
	[dreg:$0x0] =	wrdreg $0x0  }
0xae: {  	s5 =	sshll.u32 s28, $0x1;
	[dreg:$0x2] =	wrdreg s3  }
0xaf: {  	[dreg:$0x3] =	wrdreg s5  }
0xb0: {  	[dreg:$0x4] =	wrdreg $0xC0  }
0xb1: {  	_ =	task [dreg:s7], $0x5FFFF  }
0xb2: {  	[dreg:$0x1] =	wrdreg $0xFFFFFFFF  }
0xb3: {  	[dreg:$0x0] =	wrdreg $0x60  }
0xb4: {  	[dreg:$0x2] =	wrdreg s24  }
0xb5: {  	[dreg:$0x3] =	wrdreg s16  }
0xb6: {  	[dreg:$0x4] =	wrdreg $0x9  }
0xb7: {  	_ =	task.clear_ibuf [dreg:s7], $0x5FFFF;
	_ =	strace $0x90000049  }
0xb8: {  	s29 =	simm.s32 $0x9;
	_ =	strace $0x80000052  }
0xb9: {  	_ =	swait.ge [sflag:s29], $0x1  }
0xba: {  	[sflag:s29] =	ssyncadd.s32 $0xFFFFFFFF  }
0xbb: {  	_ =	strace $0x90000052  }
0xbc: {  	_ =	sfence  }
0xbd: {  	s30 =	sld [smem:$0x0];
	_ =	sdelay $0x2  }
0xbe: {  	s31 =	sshll.u32 s1, $0xD;
	s1 =	sshrl.u32 s1, $0x2  }
0xbf: {  	s3 =	sand.u32 $0x4000, s31;
	s1 =	sadd.s32 s1, s30  }
0xc0: {  	s0 =	sor.u32 s3, s0;
	s1 =	sshll.u32 s1, $0x11  }
0xc1: {  	s0 =	sor.u32 s1, s0  }
0xc2: {  	s0 =	sadd.s32 $0x8F2B, s0  }
0xc3: {  	[sflag:s0] =	ssyncadd.remote.s32 $0x1  }
0xc4: {  	_ =	sfence.sel $0xFFFF  }
0xc5: {  	[dreg:$0x0] =	wrdreg $0xFFFFFFFF;
	(pc) =	sbr.abs _section_cstart, $3  }
0xc6: {  	[dreg:$0x1] =	wrdreg $0xFFFFFFFF  }
0xc7: {  	_ =	task.clear_ibuf [dreg:s7], $0x2FFFF;
	_ =	strace $0x9FFFFFFF  }
0xc8: {  	(tm) =	ssettm $0x7FFFFFFF  }
0xc9: {  	_ =	shalt  }
tec
execute0_lowered:
.L_overlay_start_1:
0x0: {  	(tag) =	ssettag $0x1  }
0x1: {  	s1 =	rddreg [dreg:$0x0]  }
0x2: {  	s2 =	rddreg [dreg:$0x1]  }
0x3: {  	s0 =	rddreg [dreg:$0x2];
	s3 =	simm.s32 $0x0  }
0x4: {  	s4 =	srdreg.scid;
	s10 =	simm.s32 $0x5;
	s11 =	simm.s32 $0x4  }
.Ltmp0:
0x5: {  	s12 =	simm.s32 $0x0;
	s4 =	sand.u32 $0x1, s4;
	(pc) =	sbr.rel .LBB2_1-.Ltmp0, $4  }
0x6: {  	[smem:$0x7FF] =	sst s3;
	s5 =	sadd.s32 $0x180000, s1;
	s6 =	ssub.s32 $0x2, s4  }
0x7: {  	v2 =	vlaneseq.u32;
	s8 =	sadd.s32 $0x180100, s1;
	s4 =	stileid.u32;
	s7 =	sshrl.u32 s6, $0x1  }
0x8: {  	vm0 =	vmmov $0xffff;
	vm1 =	vmmov $0xff;
	v1 =	vshrl.u32 v2, $0x3;
	_ =	strace $0x8000004A;
	s31 =	sshll.u32 s4, $0x5;
	s9 =	ssub.s32 s6, s7  }
0x9: {  	v0 =	vand.u32 $0x7, v2;
	v2 =	vor.u32 $0x8, v2;
	v1 =	vmul.u32 $0x8, v1;
	s6 =	sshll.u32 s4, $0x1;
	s7 =	sadd.s32 s2, s31;
	s9 =	smax.u32 s9, $0x1  }
.LBB2_4:
0xa: {  	s13 =	sand.u32 $0x1, s13  }
0xb: {  	_ =	strace $0x80000050;
	s13 =	sadd.s32 $0x3, s13  }
0xc: {  	_ =	swait.ge [sflag:s13], $0xC000  }
0xd: {  	[sflag:s13] =	ssyncset.done $0x0  }
0xe: {  	s12 =	sadd.s32 $0x1, s12;
	[sflag:s13] =	ssyncadd.s32 $0xFFFF4000  }
0xf: {  	p0 =	sne.s32 s12, s9;
	_ =	strace $0x90000050  }
.Ltmp1:
0x10: {  	_ =	strace $0x80000051;
	(pc) =	sbr.rel @!p0 .LBB2_5-.Ltmp1, $4  }
0x11: {  	_ =	swait.ge [sflag:s11], $0xC000  }
0x12: {  	[sflag:s11] =	ssyncset.done $0x0  }
0x13: {  	[sflag:s11] =	ssyncadd.s32 $0xFFFF4000  }
0x14: {  	_ =	strace $0x90000051  }
.LBB2_1:
0x15: {  	_ =	strace $0x8000004B  }
0x16: {  	p0 =	por $0x1, $0x1;
	p2 =	por $0x0, $0x0;
	s14 =	simm.s32 $0x0  }
0x17: {  	s13 =	simm.s32 $0x0;
	s18 =	simm.s32 $0x0;
	s15 =	simm.s32 $0x0  }
0x18: {  	[tilespmem:s3], [sflag:$0x1] =	stream.linear.gather [hbm4b:s7+s3], $0x80, $0x200038;
	[tilespmem:$0x18100] =	vst v63  }
0x19: {  	s16 =	simm.s32 $0x1;
	s17 =	simm.s32 $0x0;
	_ =	strace $0x9000004B  }
.LBB2_2:
0x1a: {  	s19 =	smov.u32 s14;
	s14 =	sadd.s32 $0x1, s14  }
0x1b: {  	p1 =	seq.s32 s14, $0x2  }
0x1c: {  	s14 =	simm.s32 @p1 $0x0  }
0x1d: {  	p1 =	sne.s32 s19, s14  }
0x1e: {  	p1 =	por !p0, !p1  }
0x1f: {  	p1 =	por !p1, !p1  }
0x20: {  	s20 =	sadd.s32 @p1 s6, s14  }
0x21: {  	s21 =	sand.u32 @p1 $0x1, s16;
	s20 =	sshll.u32 @p1 s20, $0x4  }
0x22: {  	_ =	strace @p1 $0x8000004C;
	s23 =	simm.s32 @p1 $0x0;
	s20 =	sand.u32 @p1 $0x1FFFFFF0, s20  }
0x23: {  	s22 =	sshll.u32 @p1 s21, $0x7;
	s21 =	sadd.s32 @p1 $0x1, s21;
	s20 =	sadd.s32 @p1 s2, s20  }
0x24: {  	[tilespmem:s22], [sflag:s21] =	stream.linear.gather @p1 [hbm4b:s20+s23], $0x80, $0x200038;
	[tilespmem:$0x18100] =	vst v63  }
0x25: {  	s23 =	sand.u32 $0x1, s15;
	_ =	strace @p1 $0x9000004C  }
0x26: {  	s20 =	sadd.s32 $0x1, s23;
	_ =	strace $0x8000004D  }
0x27: {  	_ =	swait.ge [sflag:s20], $0x80  }
0x28: {  	[sflag:s20] =	ssyncset.done $0x0  }
0x29: {  	[sflag:s20] =	ssyncadd.s32 $0xFFFFFF80  }
0x2a: {  	s24 =	sshll.u32 s15, $0x7;
	_ =	strace $0x9000004D  }
0x2b: {  	s23 =	sand.u32 $0x80, s24;
	_ =	strace $0x8000004E  }
0x2c: {  	v3 =	vld [tilespmem:s23+$0x0];
	_ =	sdelay $0x4  }
0x2d: {  	v4 =	vshrl.u32 v3, $0x3  }
0x2e: {  	v4 =	vmul.u32 $0x18, v4  }
0x2f: {  	v3 =	vand.u32 $0x7, v3  }
0x30: {  	v3 =	vor.u32 v3, v4  }
0x31: {  	v4 =	vperm.xlane v3, v0;
	_ =	sdelay $0x1  }
0x32: {  	s20 =	sand.u32 $0x1, s18;
	v4 =	vadd.s32 v1, v4  }
0x33: {  	s25 =	smul.u32 $0x30000, s20  }
0x34: {  	v3 =	vperm.xlane v3, v2  }
0x35: {  	s22 =	sshrl.u32 s25, $0x2  }
0x36: {  	s21 =	sor.u32 $0x100, s22;
	v3 =	vadd.s32 v1, v3  }
0x37: {  	[tilespmem:s21], [sflag:$0x5] =	stream.indirect_vreg.gather [hbm4b:s5+s3], $0x80, v4, vm0, $0x2000b8;
	[tilespmem:$0x18100] =	vst v63  }
0x38: {  	s24 =	sor.u32 $0x900, s22  }
0x39: {  	[tilespmem:s24], [sflag:$0x5] =	stream.indirect_vreg.gather [hbm4b:s8+s3], $0x80, v4, vm1, $0x2000b8;
	[tilespmem:$0x18100] =	vst v63  }
0x3a: {  	s26 =	sor.u32 $0xD00, s22  }
0x3b: {  	[tilespmem:s26], [sflag:$0x5] =	stream.indirect_vreg.gather [hbm4b:s5+s3], $0x80, v3, vm0, $0x2000b8;
	[tilespmem:$0x18100] =	vst v63  }
0x3c: {  	s28 =	sor.u32 $0x1500, s22  }
0x3d: {  	[tilespmem:s28], [sflag:$0x5] =	stream.indirect_vreg.gather [hbm4b:s8+s3], $0x80, v3, vm1, $0x2000b8;
	[tilespmem:$0x18100] =	vst v63  }
0x3e: {  	v3 =	vld [tilespmem:s23+$0x10];
	_ =	sdelay $0x4  }
0x3f: {  	v57 =	vshrl.u32 v3, $0x3  }
0x40: {  	v4 =	vmul.u32 $0x18, v57  }
0x41: {  	v3 =	vand.u32 $0x7, v3  }
0x42: {  	v3 =	vor.u32 v3, v4  }
0x43: {  	v4 =	vperm.xlane v3, v0;
	_ =	sdelay $0x1  }
0x44: {  	v4 =	vadd.s32 v1, v4;
	_ =	sdelay $0x1  }
0x45: {  	v3 =	vperm.xlane v3, v2;
	_ =	sdelay $0x1  }
0x46: {  	s29 =	sor.u32 $0x1900, s22;
	v3 =	vadd.s32 v1, v3  }
0x47: {  	[tilespmem:s29], [sflag:$0x5] =	stream.indirect_vreg.gather [hbm4b:s5+s3], $0x80, v4, vm0, $0x2000b8;
	[tilespmem:$0x18100] =	vst v63  }
0x48: {  	s30 =	sor.u32 $0x2100, s22  }
0x49: {  	[tilespmem:s30], [sflag:$0x5] =	stream.indirect_vreg.gather [hbm4b:s8+s3], $0x80, v4, vm1, $0x2000b8;
	[tilespmem:$0x18100] =	vst v63  }
0x4a: {  	s31 =	sor.u32 $0x2500, s22  }
0x4b: {  	[tilespmem:s31], [sflag:$0x5] =	stream.indirect_vreg.gather [hbm4b:s5+s3], $0x80, v3, vm0, $0x2000b8;
	[tilespmem:$0x18100] =	vst v63  }
0x4c: {  	s25 =	sor.u32 $0x2D00, s22  }
0x4d: {  	[tilespmem:s25], [sflag:$0x5] =	stream.indirect_vreg.gather [hbm4b:s8+s3], $0x80, v3, vm1, $0x2000b8;
	[tilespmem:$0x18100] =	vst v63  }
0x4e: {  	v3 =	vld [tilespmem:s23+$0x20];
	_ =	sdelay $0x4  }
0x4f: {  	v58 =	vshrl.u32 v3, $0x3  }
0x50: {  	v4 =	vmul.u32 $0x18, v58  }
0x51: {  	v3 =	vand.u32 $0x7, v3  }
0x52: {  	v3 =	vor.u32 v3, v4  }
0x53: {  	v4 =	vperm.xlane v3, v0;
	_ =	sdelay $0x1  }
0x54: {  	v4 =	vadd.s32 v1, v4;
	_ =	sdelay $0x1  }
0x55: {  	v3 =	vperm.xlane v3, v2;
	_ =	sdelay $0x1  }
0x56: {  	s26 =	sor.u32 $0x3100, s22;
	v3 =	vadd.s32 v1, v3  }
0x57: {  	[tilespmem:s26], [sflag:$0x5] =	stream.indirect_vreg.gather [hbm4b:s5+s3], $0x80, v4, vm0, $0x2000b8;
	[tilespmem:$0x18100] =	vst v63  }
0x58: {  	s28 =	sor.u32 $0x3900, s22  }
0x59: {  	[tilespmem:s28], [sflag:$0x5] =	stream.indirect_vreg.gather [hbm4b:s8+s3], $0x80, v4, vm1, $0x2000b8;
	[tilespmem:$0x18100] =	vst v63  }
0x5a: {  	s29 =	sor.u32 $0x3D00, s22  }
0x5b: {  	[tilespmem:s29], [sflag:$0x5] =	stream.indirect_vreg.gather [hbm4b:s5+s3], $0x80, v3, vm0, $0x2000b8;
	[tilespmem:$0x18100] =	vst v63  }
0x5c: {  	s30 =	sadd.s32 $0x4500, s22  }
0x5d: {  	[tilespmem:s30], [sflag:$0x5] =	stream.indirect_vreg.gather [hbm4b:s8+s3], $0x80, v3, vm1, $0x2000b8;
	[tilespmem:$0x18100] =	vst v63  }
0x5e: {  	v3 =	vld [tilespmem:s23+$0x30];
	_ =	sdelay $0x4  }
0x5f: {  	v59 =	vshrl.u32 v3, $0x3  }
0x60: {  	v4 =	vmul.u32 $0x18, v59  }
0x61: {  	v3 =	vand.u32 $0x7, v3  }
0x62: {  	v3 =	vor.u32 v3, v4  }
0x63: {  	v4 =	vperm.xlane v3, v0;
	_ =	sdelay $0x1  }
0x64: {  	v4 =	vadd.s32 v1, v4;
	_ =	sdelay $0x1  }
0x65: {  	v3 =	vperm.xlane v3, v2;
	_ =	sdelay $0x1  }
0x66: {  	s31 =	sadd.s32 $0x4900, s22;
	v3 =	vadd.s32 v1, v3  }
0x67: {  	[tilespmem:s31], [sflag:$0x5] =	stream.indirect_vreg.gather [hbm4b:s5+s3], $0x80, v4, vm0, $0x2000b8;
	[tilespmem:$0x18100] =	vst v63  }
0x68: {  	s25 =	sadd.s32 $0x5100, s22  }
0x69: {  	[tilespmem:s25], [sflag:$0x5] =	stream.indirect_vreg.gather [hbm4b:s8+s3], $0x80, v4, vm1, $0x2000b8;
	[tilespmem:$0x18100] =	vst v63  }
0x6a: {  	s26 =	sadd.s32 $0x5500, s22  }
0x6b: {  	[tilespmem:s26], [sflag:$0x5] =	stream.indirect_vreg.gather [hbm4b:s5+s3], $0x80, v3, vm0, $0x2000b8;
	[tilespmem:$0x18100] =	vst v63  }
0x6c: {  	s28 =	sadd.s32 $0x5D00, s22  }
0x6d: {  	[tilespmem:s28], [sflag:$0x5] =	stream.indirect_vreg.gather [hbm4b:s8+s3], $0x80, v3, vm1, $0x2000b8;
	[tilespmem:$0x18100] =	vst v63  }
0x6e: {  	v3 =	vld [tilespmem:s23+$0x40];
	_ =	sdelay $0x4  }
0x6f: {  	v60 =	vshrl.u32 v3, $0x3  }
0x70: {  	v4 =	vmul.u32 $0x18, v60  }
0x71: {  	v3 =	vand.u32 $0x7, v3  }
0x72: {  	v3 =	vor.u32 v3, v4  }
0x73: {  	v4 =	vperm.xlane v3, v0;
	_ =	sdelay $0x1  }
0x74: {  	v4 =	vadd.s32 v1, v4;
	_ =	sdelay $0x1  }
0x75: {  	v3 =	vperm.xlane v3, v2;
	_ =	sdelay $0x1  }
0x76: {  	s29 =	sadd.s32 $0x6100, s22;
	v3 =	vadd.s32 v1, v3  }
0x77: {  	[tilespmem:s29], [sflag:$0x5] =	stream.indirect_vreg.gather [hbm4b:s5+s3], $0x80, v4, vm0, $0x2000b8;
	[tilespmem:$0x18100] =	vst v63  }
0x78: {  	s30 =	sadd.s32 $0x6900, s22  }
0x79: {  	[tilespmem:s30], [sflag:$0x5] =	stream.indirect_vreg.gather [hbm4b:s8+s3], $0x80, v4, vm1, $0x2000b8;
	[tilespmem:$0x18100] =	vst v63  }
0x7a: {  	s31 =	sadd.s32 $0x6D00, s22  }
0x7b: {  	[tilespmem:s31], [sflag:$0x5] =	stream.indirect_vreg.gather [hbm4b:s5+s3], $0x80, v3, vm0, $0x2000b8;
	[tilespmem:$0x18100] =	vst v63  }
0x7c: {  	s25 =	sadd.s32 $0x7500, s22  }
0x7d: {  	[tilespmem:s25], [sflag:$0x5] =	stream.indirect_vreg.gather [hbm4b:s8+s3], $0x80, v3, vm1, $0x2000b8;
	[tilespmem:$0x18100] =	vst v63  }
0x7e: {  	v3 =	vld [tilespmem:s23+$0x50];
	_ =	sdelay $0x4  }
0x7f: {  	v61 =	vshrl.u32 v3, $0x3  }
0x80: {  	v4 =	vmul.u32 $0x18, v61  }
0x81: {  	v3 =	vand.u32 $0x7, v3  }
0x82: {  	v3 =	vor.u32 v3, v4  }
0x83: {  	v4 =	vperm.xlane v3, v0;
	_ =	sdelay $0x1  }
0x84: {  	v4 =	vadd.s32 v1, v4;
	_ =	sdelay $0x1  }
0x85: {  	v3 =	vperm.xlane v3, v2;
	_ =	sdelay $0x1  }
0x86: {  	s26 =	sadd.s32 $0x7900, s22;
	v3 =	vadd.s32 v1, v3  }
0x87: {  	[tilespmem:s26], [sflag:$0x5] =	stream.indirect_vreg.gather [hbm4b:s5+s3], $0x80, v4, vm0, $0x2000b8;
	[tilespmem:$0x18100] =	vst v63  }
0x88: {  	s28 =	sadd.s32 $0x8100, s22  }
0x89: {  	[tilespmem:s28], [sflag:$0x5] =	stream.indirect_vreg.gather [hbm4b:s8+s3], $0x80, v4, vm1, $0x2000b8;
	[tilespmem:$0x18100] =	vst v63  }
0x8a: {  	s29 =	sadd.s32 $0x8500, s22  }
0x8b: {  	[tilespmem:s29], [sflag:$0x5] =	stream.indirect_vreg.gather [hbm4b:s5+s3], $0x80, v3, vm0, $0x2000b8;
	[tilespmem:$0x18100] =	vst v63  }
0x8c: {  	s30 =	sadd.s32 $0x8D00, s22  }
0x8d: {  	[tilespmem:s30], [sflag:$0x5] =	stream.indirect_vreg.gather [hbm4b:s8+s3], $0x80, v3, vm1, $0x2000b8;
	[tilespmem:$0x18100] =	vst v63  }
0x8e: {  	v3 =	vld [tilespmem:s23+$0x60];
	_ =	sdelay $0x4  }
0x8f: {  	v62 =	vshrl.u32 v3, $0x3  }
0x90: {  	v4 =	vmul.u32 $0x18, v62  }
0x91: {  	v3 =	vand.u32 $0x7, v3  }
0x92: {  	v3 =	vor.u32 v3, v4  }
0x93: {  	v4 =	vperm.xlane v3, v0;
	_ =	sdelay $0x1  }
0x94: {  	v4 =	vadd.s32 v1, v4;
	_ =	sdelay $0x1  }
0x95: {  	v3 =	vperm.xlane v3, v2;
	_ =	sdelay $0x1  }
0x96: {  	s31 =	sadd.s32 $0x9100, s22;
	v3 =	vadd.s32 v1, v3  }
0x97: {  	[tilespmem:s31], [sflag:$0x5] =	stream.indirect_vreg.gather [hbm4b:s5+s3], $0x80, v4, vm0, $0x2000b8;
	[tilespmem:$0x18100] =	vst v63  }
0x98: {  	s25 =	sadd.s32 $0x9900, s22  }
0x99: {  	[tilespmem:s25], [sflag:$0x5] =	stream.indirect_vreg.gather [hbm4b:s8+s3], $0x80, v4, vm1, $0x2000b8;
	[tilespmem:$0x18100] =	vst v63  }
0x9a: {  	s26 =	sadd.s32 $0x9D00, s22  }
0x9b: {  	[tilespmem:s26], [sflag:$0x5] =	stream.indirect_vreg.gather [hbm4b:s5+s3], $0x80, v3, vm0, $0x2000b8;
	[tilespmem:$0x18100] =	vst v63  }
0x9c: {  	s28 =	sadd.s32 $0xA500, s22  }
0x9d: {  	[tilespmem:s28], [sflag:$0x5] =	stream.indirect_vreg.gather [hbm4b:s8+s3], $0x80, v3, vm1, $0x2000b8;
	[tilespmem:$0x18100] =	vst v63  }
0x9e: {  	v3 =	vld [tilespmem:s23+$0x70];
	_ =	sdelay $0x4  }
0x9f: {  	v63 =	vshrl.u32 v3, $0x3  }
0xa0: {  	v4 =	vmul.u32 $0x18, v63  }
0xa1: {  	v3 =	vand.u32 $0x7, v3  }
0xa2: {  	v3 =	vor.u32 v3, v4  }
0xa3: {  	v4 =	vperm.xlane v3, v0;
	_ =	sdelay $0x1  }
0xa4: {  	v4 =	vadd.s32 v1, v4;
	_ =	sdelay $0x1  }
0xa5: {  	v3 =	vperm.xlane v3, v2;
	_ =	sdelay $0x1  }
0xa6: {  	s29 =	sadd.s32 $0xA900, s22;
	v3 =	vadd.s32 v1, v3  }
0xa7: {  	[tilespmem:s29], [sflag:$0x5] =	stream.indirect_vreg.gather [hbm4b:s5+s3], $0x80, v4, vm0, $0x2000b8;
	[tilespmem:$0x18100] =	vst v63  }
0xa8: {  	s30 =	sadd.s32 $0xB100, s22  }
0xa9: {  	[tilespmem:s30], [sflag:$0x5] =	stream.indirect_vreg.gather [hbm4b:s8+s3], $0x80, v4, vm1, $0x2000b8;
	[tilespmem:$0x18100] =	vst v63  }
0xaa: {  	p2 =	por !p2, !p2;
	p3 =	seq.s32 s19, s14;
	s31 =	sadd.s32 $0xB500, s22  }
0xab: {  	[tilespmem:s31], [sflag:$0x5] =	stream.indirect_vreg.gather [hbm4b:s5+s3], $0x80, v3, vm0, $0x2000b8;
	[tilespmem:$0x18100] =	vst v63  }
0xac: {  	p2 =	por !p2, !p3;
	s22 =	sadd.s32 $0xBD00, s22  }
0xad: {  	[tilespmem:s22], [sflag:$0x5] =	stream.indirect_vreg.gather [hbm4b:s8+s3], $0x80, v3, vm1, $0x2000b8;
	[tilespmem:$0x18100] =	vst v63  }
0xae: {  	s19 =	sadd.s32 s6, s19;
	p2 =	por !p2, !p2;
	_ =	swait.ge [sflag:s10], $0xC000  }
0xaf: {  	s19 =	smul.u32 @!p2 $0x1800, s19;
	p0 =	por p2, p0;
	[sflag:s10] =	ssyncset.done $0x0  }
.Ltmp2:
0xb0: {  	[sflag:s10] =	ssyncadd.s32 $0xFFFF4000;
	(pc) =	sbr.rel @!p0 .LBB2_4-.Ltmp2, $4  }
0xb1: {  	s19 =	sadd.s32 @!p2 s1, s19;
	_ =	strace $0x9000004E  }
0xb2: {  	s20 =	sadd.s32 @!p2 $0x3, s20;
	s22 =	simm.s32 @!p2 $0x0;
	_ =	strace @!p2 $0x8000004F  }
0xb3: {  	[hbm4b:s19+s22] =	stream.linear.scatter @!p2 [tilespmem:s21], [sflag:s20], $0xC000, $0x200038;
	[tilespmem:$0x18100] =	vst v63  }
0xb4: {  	_ =	strace @!p2 $0x9000004F  }
.Ltmp3:
0xb5: {  	s19 =	simm.s32 $0x1;
	(pc) =	sbr.rel .LBB2_2-.Ltmp3, $4  }
0xb6: {  	s20 =	simm.s32 @!p2 $0x1;
	s13 =	sadd.s32 s17, s13;
	s19 =	simm.s32 @!p1 $0x0  }
0xb7: {  	s17 =	simm.s32 $0x1;
	s16 =	sadd.s32 s19, s16;
	s19 =	sadd.s32 @!p2 $0x1, s18  }
0xb8: {  	p0 =	por $0x0, $0x0;
	s20 =	simm.s32 @p2 $0x0;
	s19 =	smov.u32 @p2 s18  }
0xb9: {  	s15 =	sadd.s32 s15, s20;
	p2 =	por $0x1, $0x1;
	s18 =	smov.u32 s19  }
.LBB2_5:
0xba: {  	_ =	sfence.sel $0x180000  }
0xbb: {  	[bflag:$0x0] =	sbarrier.arrive $0xFFFF  }
0xbc: {  	p0 =	sne.s32 s4, $0x0;
	_ =	strace $0x9000004A  }
0xbd: {  	s0 =	sadd.s32 @!p0 $0x100000, s0;
	[bflag:$0x2] =	sbarrier.arrive $0xFFFF  }
0xbe: {  	[sflag:s0] =	ssyncadd.tile.s32 @!p0 $0x1;
	_ =	shalt  }
.Lfunc_end2:
_tile_overlayer_lowered:
.L_overlay_start_2:
0xbf: {  	(tag) =	ssettag $0x2  }
0xc0: {  	s0 =	rddreg [dreg:$0x0];
	s2 =	stileid.u32  }
0xc1: {  	s1 =	rddreg [dreg:$0x1];
	p0 =	sne.s32 s2, $0x0  }
0xc2: {  	s3 =	rddreg [dreg:$0x2];
	[bflag:$0x3] =	sbarrier.arrive $0xFFFF;
	s2 =	simm.s32 @!p0 $0x1C01  }
0xc3: {  	[timem:s3], [sflag:s2] =	dma.local @!p0 [hbm:s0], s1  }
0xc4: {  	s0 =	simm.s32 @!p0 $0x1  }
0xc5: {  	_ =	swait.ge @!p0 [sflag:s0], s1  }
0xc6: {  	s1 =	ssub.s32 @!p0 $0x0, s1;
	[sflag:s0] =	ssyncset.done @!p0 $0x0  }
0xc7: {  	[sflag:s0] =	ssyncadd.s32 @!p0 s1  }
0xc8: {  	[bflag:$0x3] =	sbarrier.arrive $0xFFFF  }
0xc9: {  	_ =	shalt  }

// kernel: sparse-core-data-format-call.cloned.1.call-start
scs
called_computation_lowered:
.L_overlay_start_0:
0x0: {  	s2 =	sld [smem:$0x3FD9]  }
0x1: {  	s3 =	sld [smem:$0x3FFE];
	_ =	sdelay $0x1  }
0x2: {  	s1 =	srdreg.scid  }
0x3: {  	s0 =	sand.u32 $0x1, s1  }
0x4: {  	s18 =	sshll.u32 s0, $0xA;
	s2 =	sadd.s32 s3, s2  }
0x5: {  	s2 =	sadd.s32 s2, s18  }
0x6: {  	[smem:$0x3FB5] =	sst s2  }
0x7: {  	_ = 	snop  }
0x8: {  	s2 =	sld [smem:$0x3FC9];
	(tm) =	ssettm $0x1  }
0x9: {  	s19 =	sld [smem:$0x3FFB];
	_ =	sdelay $0x3  }
0xa: {  	_ =	strace s19  }
0xb: {  	s3 =	sld [smem:$0x3FFC];
	_ =	sdelay $0x3  }
0xc: {  	_ =	strace s3  }
0xd: {  	s3 =	sld [smem:$0x3FFD];
	_ =	sdelay $0x3  }
0xe: {  	_ =	strace s3  }
0xf: {  	_ =	strace $0x8FFFFFFF  }
0x10: {  	s20 =	sld [smem:$0x3FDB];
	_ =	sdelay $0x1  }
0x11: {  	s4 =	simm.s32 $_scs_section_size  }
0x12: {  	s5 =	simm.s32 $_size__tile_overlayer_lowered;
	s6 =	simm.s32 $_tile_overlayer_lowered  }
0x13: {  	s23 =	simm.s32 $0x1BFF;
	s22 =	sshll.u32 s6, $0x1;
	s3 =	sadd.s32 s4, s20  }
0x14: {  	s7 =	simm.s32 $0x0;
	s21 =	sshll.u32 s5, $0x1;
	s5 =	sadd.s32 s22, s3  }
0x15: {  	[timem:s7], [sflag:s23] =	dma.local [hbm:s5], s21  }
0x16: {  	_ =	swait.ge [sflag:s23], s21  }
0x17: {  	s4 =	ssub.s32 $0x0, s21;
	[sflag:s23] =	ssyncset.done $0x0  }
0x18: {  	[sflag:s23] =	ssyncadd.s32 s4;
	_ =	sdelay $0x1  }
0x19: {  	s24 =	simm.s32 $0x1B8B  }
0x1a: {  	_ =	swait.ge [sflag:s24], $0x1  }
0x1b: {  	[sflag:s24] =	ssyncset.done $0x0  }
0x1c: {  	s26 =	simm.s32 $0x1B8E;
	s25 =	sld [smem:$0x3FFE];
	[sflag:s24] =	ssyncadd.s32 $0xFFFFFFFF  }
0x1d: {  	s27 =	simm.s32 $execute0_lowered;
	[smem:$0x3FD2] =	sst s26  }
0x1e: {  	s5 =	sshll.u32 s27, $0x1;
	_ =	strace $0x80000046;
	[dreg:$0x1] =	wrdreg $0xFFFFFFFF  }
0x1f: {  	s28 =	simm.s32 $_size_execute0_lowered;
	s3 =	sadd.s32 s3, s5;
	[dreg:$0x0] =	wrdreg $0x0  }
0x20: {  	s5 =	sshll.u32 s28, $0x1;
	[dreg:$0x2] =	wrdreg s3  }
0x21: {  	[dreg:$0x3] =	wrdreg s5  }
0x22: {  	[dreg:$0x4] =	wrdreg $0xC0  }
0x23: {  	_ =	task [dreg:s7], $0x5FFFF  }
0x24: {  	[dreg:$0x1] =	wrdreg $0xFFFFFFFF  }
0x25: {  	[dreg:$0x0] =	wrdreg $0x60  }
0x26: {  	[dreg:$0x2] =	wrdreg s2  }
0x27: {  	[dreg:$0x3] =	wrdreg s25  }
0x28: {  	[dreg:$0x4] =	wrdreg $0x9  }
0x29: {  	_ =	task.clear_ibuf [dreg:s7], $0x5FFFF;
	_ =	strace $0x90000046  }
0x2a: {  	s29 =	simm.s32 $0x9;
	_ =	strace $0x80000048  }
0x2b: {  	_ =	swait.ge [sflag:s29], $0x1  }
0x2c: {  	[sflag:s29] =	ssyncadd.s32 $0xFFFFFFFF  }
0x2d: {  	_ =	strace $0x90000048  }
0x2e: {  	_ =	sfence  }
0x2f: {  	s30 =	sld [smem:$0x0];
	_ =	sdelay $0x2  }
0x30: {  	s31 =	sshll.u32 s1, $0xD;
	s1 =	sshrl.u32 s1, $0x2  }
0x31: {  	s3 =	sand.u32 $0x4000, s31;
	s1 =	sadd.s32 s1, s30  }
0x32: {  	s0 =	sor.u32 s3, s0;
	s1 =	sshll.u32 s1, $0x11  }
0x33: {  	s0 =	sor.u32 s1, s0  }
0x34: {  	s0 =	sadd.s32 $0x8F2B, s0  }
0x35: {  	[sflag:s0] =	ssyncadd.remote.s32 $0x1  }
0x36: {  	_ =	sfence.sel $0xFFFF  }
0x37: {  	[dreg:$0x0] =	wrdreg $0xFFFFFFFF;
	(pc) =	sbr.abs _section_cstart, $3  }
0x38: {  	[dreg:$0x1] =	wrdreg $0xFFFFFFFF  }
0x39: {  	_ =	task.clear_ibuf [dreg:s7], $0x2FFFF;
	_ =	strace $0x9FFFFFFF  }
0x3a: {  	(tm) =	ssettm $0x7FFFFFFF  }
0x3b: {  	_ =	shalt  }
tec
execute0_lowered:
.L_overlay_start_1:
0x0: {  	(tag) =	ssettag $0x1  }
0x1: {  	s0 =	srdreg.scid;
	s2 =	rddreg [dreg:$0x0]  }
0x2: {  	s3 =	rddreg [dreg:$0x1];
	s7 =	simm.s32 $0x2;
	s0 =	sshll.u32 s0, $0x7  }
0x3: {  	s14 =	simm.s32 $0x0;
	p0 =	por $0x0, $0x0;
	s1 =	sand.u32 $0x80, s0  }
0x4: {  	s8 =	simm.s32 $0x4000;
	s13 =	simm.s32 $0x0;
	s4 =	ssub.s32 $0x800, s1  }
0x5: {  	s15 =	simm.s32 $0x0;
	s9 =	simm.s32 $0x0;
	s5 =	sshrl.u32 s4, $0x7  }
.Ltmp0:
0x6: {  	s4 =	sshrl.u32 s4, $0x8;
	s6 =	sand.u32 $0x1, s5;
	(pc) =	sbr.rel .LBB1_1-.Ltmp0, $4  }
0x7: {  	s11 =	stileid.u32;
	s0 =	rddreg [dreg:$0x2];
	s4 =	sadd.s32 s4, s6  }
0x8: {  	_ =	strace $0x80000047;
	s5 =	simm.s32 $0x1;
	s6 =	smul.u32 $0x3, s4  }
0x9: {  	s12 =	simm.s32 $0x0;
	s10 =	smov.u32 s1;
	[sflag:s5] =	ssyncpa.u1 $0x0  }
0xa: {  	s4 =	stileid.u32;
	[sflag:s7] =	ssyncpa.u1 $0x0;
	s7 =	sadd.s32 $0x1, s6  }
.LBB1_4:
0xb: {  	v5 =	vld [tilespmem:s19+$0xFFFFFFD0];
	[tilespmem:s18+$0x2040 ss:$0x81] =	vst.msk $0xffff, v4  }
0xc: {  	s21 =	sshll.u32 s14, $0xB;
	s22 =	sshll.u32 s13, $0x3;
	v58 =	vld [tilespmem:s19+$0xFFFFFFE0];
	[tilespmem:s18+$0x2850 ss:$0x81] =	vst.msk $0xffff, v3  }
0xd: {  	s20 =	sshra.s32 s20, $0x2;
	v59 =	vld [tilespmem:s19+$0xFFFFFFF0];
	[tilespmem:s18+$0x3060 ss:$0x81] =	vst.msk $0xffff, v2;
	s21 =	sand.u32 $0xFFFFC000, s21;
	s23 =	sand.u32 $0xFFFFFC00, s22  }
0xe: {  	v60 =	vld [tilespmem:s19+$0x0];
	[tilespmem:s18+$0x0 ss:$0x81] =	vst.msk $0xffff, v0;
	s17 =	sadd.s32 s20, s17;
	s21 =	sadd.s32 s23, s21  }
0xf: {  	v61 =	vld [tilespmem:s19+$0x10];
	[tilespmem:s17+$0x3870 ss:$0x81] =	vst.msk $0xffff, v1;
	s26 =	sshrl.u32 s21, $0xB  }
0x10: {  	v62 =	vld [tilespmem:s19+$0x20];
	s28 =	sand.u32 $0x78, s13;
	s27 =	smulhi.u32 $0xAAAAAB, s26;
	[tilespmem:s17+$0x810 ss:$0x81] =	vst.msk $0xffff, v5  }
0x11: {  	v63 =	vld [tilespmem:s19+$0xFFFFFFC0];
	s29 =	sshll.u32 s14, $0x7;
	s15 =	smul.u32 $0x18000, s15;
	s30 =	sand.u32 $0x400, s22;
	[tilespmem:s17+$0x1020 ss:$0x81] =	vst.msk $0xffff, v58  }
0x12: {  	s14 =	sand.u32 $0x380, s29;
	s19 =	sor.u32 s28, s30;
	[tilespmem:s17+$0x1830 ss:$0x81] =	vst.msk $0xffff, v59;
	s20 =	smul.u32 $0x180, s27  }
0x13: {  	s31 =	sand.u32 $0x7, s13;
	s14 =	sor.u32 s14, s19;
	[tilespmem:s17+$0x2040 ss:$0x81] =	vst.msk $0xffff, v60  }
0x14: {  	s15 =	sadd.s32 s3, s15;
	s14 =	sshrl.u32 s14, $0x3;
	[tilespmem:s17+$0x2850 ss:$0x81] =	vst.msk $0xffff, v61;
	s18 =	ssub.s32 s26, s20  }
0x15: {  	s13 =	sshll.u32 s31, $0x12;
	[tilespmem:s17+$0x3060 ss:$0x81] =	vst.msk $0xffff, v62;
	s14 =	sadd.s32 s14, s15;
	s18 =	sshll.u32 s18, $0x8  }
0x16: {  	s13 =	sor.u32 $0x400, s13;
	[tilespmem:s17+$0x0 ss:$0x81] =	vst.msk $0xffff, v63;
	s14 =	sadd.s32 s18, s14  }
0x17: {  	[hbm4b:s14+s13] =	stream.strided.scatter [tilespmem:s16], [sflag:$0x2], $0x4000, s8, s13, $0x20;
	[tilespmem:$0x10100] =	vst v63  }
.LBB1_5:
0x18: {  	s16 =	sadd.s32 $0x80, s9  }
0x19: {  	s13 =	sadd.s32 $0x100, s10;
	s17 =	smov.u32 s10;
	p2 =	sgt.s32 s16, $0x17F  }
0x1a: {  	s17 =	smov.u32 @p2 s13  }
0x1b: {  	s19 =	smov.u32 s11;
	s13 =	sadd.s32 $0x10, s11;
	p3 =	sgt.s32 s17, $0x7FF  }
0x1c: {  	s19 =	smov.u32 @p3 s13  }
0x1d: {  	s16 =	simm.s32 @p2 $0x0;
	p2 =	sgt.s32 s19, $0xF  }
0x1e: {  	p1 =	slt.u32 s12, $0x2;
	s19 =	smov.u32 @p2 s4;
	p2 =	sne.s32 s12, s7  }
.Ltmp1:
0x1f: {  	s18 =	simm.s32 @!p1 $0x2;
	(pc) =	sbr.rel @!p2 .LBB1_6-.Ltmp1, $4  }
0x20: {  	s14 =	smov.u32 s9;
	s15 =	smov.u32 s11;
	_ =	swait.ge @!p1 [sflag:s18], $0x4000  }
0x21: {  	p0 =	por !p0, !p0;
	[sflag:s18] =	ssyncset.done @!p1 $0x0;
	s9 =	smov.u32 s16  }
0x22: {  	s17 =	smov.u32 @p3 s1;
	s13 =	smov.u32 s10;
	[sflag:s18] =	ssyncadd.s32 @!p1 $0xFFFFC000  }
0x23: {  	s10 =	smov.u32 s17;
	s12 =	sadd.s32 $0x1, s12;
	s11 =	smov.u32 s19  }
.LBB1_1:
0x24: {  	p1 =	sge.u32 s12, s6  }
0x25: {  	s16 =	sshrl.u32 @!p1 s10, $0x3  }
0x26: {  	s17 =	sshll.u32 @!p1 s9, $0x3;
	s16 =	smul.u32 @!p1 $0xC00, s16  }
0x27: {  	s18 =	sshll.u32 @!p1 s10, $0x7;
	s17 =	sand.u32 @!p1 $0xFFFFFC00, s17  }
0x28: {  	s16 =	sadd.s32 @!p1 s16, s17;
	s17 =	sand.u32 @!p1 $0x380, s18  }
0x29: {  	s18 =	sand.u32 @!p1 $0x7F, s9;
	s16 =	sor.u32 @!p1 s17, s16  }
0x2a: {  	s17 =	sor.u32 @!p1 s18, s16  }
0x2b: {  	s18 =	smulhi.u32 @!p1 $0xAAAAAAAB, s17  }
0x2c: {  	s16 =	smulhi.u32 @!p1 $0xAAAAAAAB, s16  }
0x2d: {  	s18 =	sshrl.u32 @!p1 s18, $0x8  }
0x2e: {  	s31 =	sadd.s32 $0xFFFFFFFF, s12;
	s16 =	sshrl.u32 @!p1 s16, $0x8;
	s18 =	smul.u32 @!p1 $0x180, s18  }
0x2f: {  	s19 =	sxor.u32 @!p1 $0xFFFFFFFF, s12;
	s20 =	smul.u32 @!p1 $0x18000, s11;
	s16 =	sand.u32 @!p1 $0x7FF, s16  }
0x30: {  	s19 =	sshll.u32 @!p1 s19, $0xE;
	s16 =	smul.u32 @!p1 $0x30, s16;
	s17 =	ssub.s32 @!p1 s17, s18  }
0x31: {  	s18 =	sand.u32 @!p1 $0x4000, s19;
	s19 =	sadd.s32 @!p1 s2, s20;
	s20 =	sand.u32 @!p1 $0x7, s17  }
0x32: {  	s17 =	sshrl.u32 @!p1 s17, $0x3;
	s16 =	sadd.s32 @!p1 s16, s19;
	s19 =	sshll.u32 @!p1 s20, $0x12  }
0x33: {  	s16 =	sadd.s32 @!p1 s17, s16;
	s17 =	sor.u32 @!p1 $0x400, s19;
	s19 =	simm.s32 @!p1 $0xC00  }
0x34: {  	[tilespmem:s18], [sflag:$0x1] =	stream.strided.gather @!p1 [hbm4b:s16+s17], $0x4000, s19, s17, $0x38;
	[tilespmem:$0x10100] =	vst v63  }
0x35: {  	p1 =	sge.u32 s31, s6  }
.Ltmp2:
0x36: {  	_ = 	snop;
	(pc) =	sbr.rel @p1 .LBB1_5-.Ltmp2, $1  }
0x37: {  	_ =	sdelay $0x3  }
0x38: {  	s16 =	simm.s32 $0x1  }
0x39: {  	_ =	swait.ge [sflag:s5], $0x4000;
	s16 =	simm.s32 @!p0 $0x0  }
0x3a: {  	[sflag:s5] =	ssyncset.done $0x0;
	s17 =	sshll.u32 s16, $0xE  }
0x3b: {  	[sflag:s5] =	ssyncadd.s32 $0xFFFFC000;
	s19 =	sor.u32 $0x40, s17  }
0x3c: {  	s16 =	smul.u32 $0x10200, s16;
	v0 =	vld [tilespmem:s19+$0x30]  }
0x3d: {  	v1 =	vld [tilespmem:s19+$0xFFFFFFD0]  }
0x3e: {  	s16 =	sshrl.u32 s16, $0x2;
	v5 =	vld [tilespmem:s19+$0xFFFFFFE0]  }
0x3f: {  	v6 =	vld [tilespmem:s19+$0xFFFFFFF0];
	s17 =	sor.u32 $0x8000, s16  }
0x40: {  	s31 =	sand.u32 $0x1, s12;
	v4 =	vld [tilespmem:s19+$0x0];
	s18 =	sadd.s32 $0x0, s17  }
0x41: {  	v3 =	vld [tilespmem:s19+$0x10];
	s16 =	smul.u32 $0x10200, s31;
	[tilespmem:s18+$0x3870 ss:$0x81] =	vst.msk $0xffff, v0  }
0x42: {  	v2 =	vld [tilespmem:s19+$0x20];
	[tilespmem:s18+$0x810 ss:$0x81] =	vst.msk $0xffff, v1  }
0x43: {  	s16 =	sshrl.u32 s16, $0x2;
	v0 =	vld [tilespmem:s19+$0xFFFFFFC0];
	[tilespmem:s18+$0x1020 ss:$0x81] =	vst.msk $0xffff, v5;
	s19 =	sadd.s32 $0x80, s19  }
0x44: {  	s20 =	simm.s32 $0x4;
	s21 =	simm.s32 $0x8;
	s16 =	sor.u32 $0x8000, s16;
	[tilespmem:s18+$0x1830 ss:$0x81] =	vst.msk $0xffff, v6;
	v1 =	vld [tilespmem:s19+$0x30]  }
.LBB1_3:
0x45: {  	p1 =	sne.s32 s21, $0x1FC;
	v5 =	vld [tilespmem:s19+$0xFFFFFFD0];
	[tilespmem:s18+$0x2040 ss:$0x81] =	vst.msk $0xffff, v4  }
0x46: {  	v6 =	vld [tilespmem:s19+$0xFFFFFFE0];
	[tilespmem:s18+$0x2850 ss:$0x81] =	vst.msk $0xffff, v3  }
0x47: {  	s22 =	sshra.s32 s20, $0x2;
	s20 =	smov.u32 s21;
	v7 =	vld [tilespmem:s19+$0xFFFFFFF0];
	[tilespmem:s18+$0x3060 ss:$0x81] =	vst.msk $0xffff, v2  }
.Ltmp3:
0x48: {  	v4 =	vld [tilespmem:s19+$0x0];
	[tilespmem:s18+$0x0 ss:$0x81] =	vst.msk $0xffff, v0;
	s18 =	sadd.s32 s22, s17;
	(pc) =	sbr.rel @p1 .LBB1_3-.Ltmp3, $4  }
0x49: {  	v3 =	vld [tilespmem:s19+$0x10];
	[tilespmem:s18+$0x3870 ss:$0x81] =	vst.msk $0xffff, v1  }
0x4a: {  	[tilespmem:s18+$0x810 ss:$0x81] =	vst.msk $0xffff, v5;
	v2 =	vld [tilespmem:s19+$0x20]  }
0x4b: {  	v0 =	vld [tilespmem:s19+$0xFFFFFFC0];
	[tilespmem:s18+$0x1020 ss:$0x81] =	vst.msk $0xffff, v6;
	s19 =	sadd.s32 $0x80, s19  }
0x4c: {  	s21 =	sadd.s32 $0x4, s21;
	v1 =	vld [tilespmem:s19+$0x30];
	[tilespmem:s18+$0x1830 ss:$0x81] =	vst.msk $0xffff, v7  }
.Ltmp4:
0x4d: {  	_ = 	snop;
	(pc) =	sbr.rel .LBB1_4-.Ltmp4, $1  }
0x4e: {  	_ =	sdelay $0x3  }
.LBB1_6:
0x4f: {  	_ =	sfence.sel $0x180000  }
0x50: {  	s1 =	simm.s32 $0x1;
	[bflag:$0x0] =	sbarrier.arrive $0xFFFF  }
0x51: {  	s31 =	simm.s32 $0x2;
	[sflag:s1] =	ssyncpa.u1 $0x1  }
0x52: {  	[sflag:s31] =	ssyncpa.u1 $0x1  }
0x53: {  	p0 =	sne.s32 s4, $0x0;
	_ =	strace $0x90000047  }
0x54: {  	s0 =	sadd.s32 @!p0 $0x100000, s0;
	[bflag:$0x2] =	sbarrier.arrive $0xFFFF  }
0x55: {  	[sflag:s0] =	ssyncadd.tile.s32 @!p0 $0x1;
	_ =	shalt  }
.Lfunc_end1:
_tile_overlayer_lowered:
.L_overlay_start_2:
0x56: {  	(tag) =	ssettag $0x2  }
0x57: {  	s0 =	rddreg [dreg:$0x0];
	s2 =	stileid.u32  }
0x58: {  	s1 =	rddreg [dreg:$0x1];
	p0 =	sne.s32 s2, $0x0  }
0x59: {  	s3 =	rddreg [dreg:$0x2];
	[bflag:$0x3] =	sbarrier.arrive $0xFFFF;
	s2 =	simm.s32 @!p0 $0x1C01  }
0x5a: {  	[timem:s3], [sflag:s2] =	dma.local @!p0 [hbm:s0], s1  }
0x5b: {  	s0 =	simm.s32 @!p0 $0x1  }
0x5c: {  	_ =	swait.ge @!p0 [sflag:s0], s1  }
0x5d: {  	s1 =	ssub.s32 @!p0 $0x0, s1;
	[sflag:s0] =	ssyncset.done @!p0 $0x0  }
0x5e: {  	[sflag:s0] =	ssyncadd.s32 @!p0 s1  }
0x5f: {  	[bflag:$0x3] =	sbarrier.arrive $0xFFFF  }
0x60: {  	_ =	shalt  }

</sc_bundles>
